<compile_context>
chip_gen: v7x
topology: tpu7x:2x2x1
jax: 0.10.2.dev20260603
libtpu: 0.0.44.dev20260713+nightly
codegen_flags: <defaults>
</compile_context>

<pallas_src>
import functools

import jax
import jax.numpy as jnp
from jax import lax
from jax.experimental import pallas as pl
from jax.experimental.pallas import tpu as pltpu
from jax.experimental.pallas import tpu_sc as plsc

BATCH = 4096
NFIELD = 282
NPOS = 283
DIM = 64
NTAB = 790
NC = 2
NS = 16
NW = NC * NS
BLK = BATCH // NW
NG = BLK // 16
BUFW = (DIM // 8) * 1024


def _body(x_hbm, starts_hbm, table_hbm, out_hbm,
          x_blk, table_v, se_v, buf, wsem_a, wsem_b):
    wid = lax.axis_index("s") * NC + lax.axis_index("c")
    bbase = wid * BLK

    pltpu.sync_copy(x_hbm.at[pl.ds(bbase * NPOS, BLK * NPOS)], x_blk)
    pltpu.sync_copy(table_hbm, table_v)
    pltpu.sync_copy(starts_hbm, se_v.at[pl.ds(0, NPOS)])

    iota283 = lax.iota(jnp.int32, 16) * NPOS

    def q_body(q, carry):
        p = q >> 3
        g = q & 7
        par = p & 1
        boff = par * BUFW

        @pl.when((g == 0) & (p >= 2) & (par == 0))
        def _():
            for d8 in range(DIM // 8):
                pltpu.make_async_copy(buf.at[pl.ds(0, 1024)],
                                      out_hbm.at[pl.ds(0, 1024)],
                                      wsem_a).wait()

        @pl.when((g == 0) & (p >= 2) & (par == 1))
        def _():
            for d8 in range(DIM // 8):
                pltpu.make_async_copy(buf.at[pl.ds(0, 1024)],
                                      out_hbm.at[pl.ds(0, 1024)],
                                      wsem_b).wait()

        soff16 = plsc.load_gather(se_v, [jnp.full((16,), p, jnp.int32)])
        xat16 = iota283 + (g * 16 * NPOS + p)
        x16 = plsc.load_gather(x_blk, [xat16])
        base16 = (x16 + soff16) * (DIM + 1)

        col = boff + g * 16
        for d0 in range(0, DIM, 16):
            vals = [plsc.load_gather(table_v, [base16 + (d0 + k)])
                    for k in range(16)]
            for k in range(16):
                d = d0 + k
                buf[pl.ds(col + (d // 8) * 1024 + (d % 8) * 128, 16)] = \
                    vals[k]

        out0 = p * (DIM * BATCH) + wid * 1024

        @pl.when((g == 7) & (par == 0))
        def _():
            for d8 in range(DIM // 8):
                pltpu.async_copy(
                    buf.at[pl.ds(boff + d8 * 1024, 1024)],
                    out_hbm.at[pl.ds(out0 + d8 * (NW * 1024), 1024)],
                    wsem_a)

        @pl.when((g == 7) & (par == 1))
        def _():
            for d8 in range(DIM // 8):
                pltpu.async_copy(
                    buf.at[pl.ds(boff + d8 * 1024, 1024)],
                    out_hbm.at[pl.ds(out0 + d8 * (NW * 1024), 1024)],
                    wsem_b)

        return carry

    lax.fori_loop(0, NPOS * NG, q_body, 0)
    for d8 in range(DIM // 8):
        pltpu.make_async_copy(buf.at[pl.ds(0, 1024)],
                              out_hbm.at[pl.ds(0, 1024)], wsem_a).wait()
        pltpu.make_async_copy(buf.at[pl.ds(0, 1024)],
                              out_hbm.at[pl.ds(0, 1024)], wsem_b).wait()


@functools.partial(jax.jit, static_argnames=())
def _emb_lookup(x, starts, starter, table):
    mesh = plsc.VectorSubcoreMesh(core_axis_name="c", subcore_axis_name="s")
    run = functools.partial(
        pl.kernel,
        mesh=mesh,
        out_type=jax.ShapeDtypeStruct((NPOS * DIM * BATCH,), jnp.float32),
        compiler_params=pltpu.CompilerParams(use_tc_tiling_on_sc=False,
                                             needs_layout_passes=False),
        scratch_types=[
            pltpu.VMEM((BLK * NPOS,), jnp.int32),
            pltpu.VMEM((NTAB * (DIM + 1),), jnp.float32),
            pltpu.VMEM((288,), jnp.int32),
            pltpu.VMEM((2 * BUFW,), jnp.float32),
            pltpu.SemaphoreType.DMA,
            pltpu.SemaphoreType.DMA,
        ],
    )(_body)
    xz = jnp.concatenate(
        [jnp.zeros((BATCH, 1), jnp.int32), x], axis=1).reshape(-1)
    starts_ext = jnp.concatenate([starter, starts])
    tablep = jnp.pad(table, ((0, 0), (0, 1)))
    kout = run(xz, starts_ext, tablep.reshape(-1))
    k5 = kout.reshape(NPOS, DIM // 8, NW, 8, 128)
    return k5.transpose(2, 4, 0, 1, 3).reshape(BATCH, NPOS, DIM)


def kernel(x, field_start_idx_array, starter_idx_array, table):
    return _emb_lookup(x, field_start_idx_array, starter_idx_array, table)

# --- scband reference (transcript-rebuilt; emitter-appended) ---
"""Pipeline reference for scband-env-embedding-71640054497969 (READ-ONLY COPY).

The authoritative reference and input builder live on the scoring server;
editing this copy changes nothing except your own understanding.
"""

import jax, jax.numpy as jnp
import numpy as np

EMBEDDING_DIM = 64
NUM_OUTPUT_CLASS = 12
HIST_PER_ROUND = 6
NUM_BINS = 16
NUM_STARTERS = 1
MAX_PLAYER_NUMBER = 9
NUM_ACTION_FEATURE_BINS = 4
LEN_CARD_FIGURE = 13
LEN_CARD_DECOR = 4
LEN_CUTTER_DEFAULT = 50
LEN_CUTTER_BINS = 50
LEN_CUTTER_SELF_BINS = 50
LEN_CUTTER_SELF_DEFAULT = 50
LEN_PLAYER_STATUS = 4
BATCH = 4096


def _field_dim_list():
    return [
        (1, 4),
        (1, MAX_PLAYER_NUMBER + 1),
        (7, LEN_CARD_FIGURE + 2),
        (7, LEN_CARD_DECOR + 2),
        (1, LEN_CUTTER_DEFAULT),
        (1, LEN_CUTTER_DEFAULT),
        (1, LEN_CUTTER_DEFAULT),
        (1, LEN_CUTTER_DEFAULT),
        (1, LEN_CUTTER_BINS),
        (1, LEN_CUTTER_BINS),
        (1, LEN_CUTTER_SELF_BINS),
        (1, LEN_CUTTER_BINS),
        (1, LEN_CUTTER_BINS),
        (1, LEN_CUTTER_SELF_BINS),
        (NUM_ACTION_FEATURE_BINS, LEN_CUTTER_SELF_DEFAULT + 1),
        (NUM_ACTION_FEATURE_BINS, LEN_CUTTER_BINS + 1),
        (NUM_ACTION_FEATURE_BINS, LEN_CUTTER_BINS + 1),
        (NUM_ACTION_FEATURE_BINS, LEN_CUTTER_BINS + 1),
        (MAX_PLAYER_NUMBER - 1, LEN_PLAYER_STATUS),
        (MAX_PLAYER_NUMBER - 1, NUM_BINS),
        (MAX_PLAYER_NUMBER - 1, NUM_BINS + 1),
        (4 * HIST_PER_ROUND * MAX_PLAYER_NUMBER, NUM_OUTPUT_CLASS + 1),
    ]


def setup_inputs(seed: int = 0) -> dict:
    key = jax.random.key(seed)
    fdl = _field_dim_list()
    n_fields = sum(n for n, _ in fdl)
    current = NUM_STARTERS
    starts = []
    for n, d in fdl:
        starts.extend([current] * n)
        current += d
    num_embeddings = current  # NUM_STARTERS + sum of dims = 790
    k1, k2 = jax.random.split(key)
    x = jax.random.randint(k1, (BATCH, n_fields), 0, 4, dtype=jnp.int32)
    field_start_idx_array = jnp.array(starts, dtype=jnp.int32)
    starter_idx_array = jnp.arange(NUM_STARTERS, dtype=jnp.int32)
    table = jax.random.normal(k2, (num_embeddings, EMBEDDING_DIM), dtype=jnp.float32)
    return {
        "x": x,
        "field_start_idx_array": field_start_idx_array,
        "starter_idx_array": starter_idx_array,
        "table": table,
    }


def reference(x, field_start_idx_array, starter_idx_array, table):
    batch_size = x.shape[0]
    item_idx_modified = x + field_start_idx_array[None, :]
    starters = jnp.broadcast_to(
        starter_idx_array[None, :], (batch_size, starter_idx_array.shape[0])
    )
    game_status_tensor = jnp.concatenate([starters, item_idx_modified], axis=1)
    game_status_embedding = jnp.take(table, game_status_tensor, axis=0)
    return game_status_embedding

if __name__ == "__main__":
    import jax
    _d = setup_inputs()
    print(jax.jit(kernel)(*tuple(_d.values())))

</pallas_src>

<mosaic_0001>
#map = affine_map<(d0, d1) -> (0)>
module attributes {stable_mosaic.version = 14 : i64} {
  func.func @_body(%arg0: i32, %arg1: i32, %arg2: memref<1159168xi32, #tpu.memory_space<hbm>>, %arg3: memref<283xi32, #tpu.memory_space<hbm>>, %arg4: memref<51350xf32, #tpu.memory_space<hbm>>, %arg5: memref<74186752xf32, #tpu.memory_space<hbm>>, %arg6: memref<36224xi32, #tpu.memory_space<vmem>>, %arg7: memref<51350xf32, #tpu.memory_space<vmem>>, %arg8: memref<288xi32, #tpu.memory_space<vmem>>, %arg9: memref<16384xf32, #tpu.memory_space<vmem>>, %arg10: memref<!tpu.dma_semaphore, #tpu.memory_space<semaphore_mem>>, %arg11: memref<!tpu.dma_semaphore, #tpu.memory_space<semaphore_mem>>) attributes {dimension_semantics = [#tpu.dimension_semantics<core_parallel>, #tpu.dimension_semantics<subcore_parallel>], iteration_bounds = array<i64: 2, 16>, scalar_prefetch = 0 : i64, scratch_operands = 6 : i64, tpu.core_type = #tpu.core_type<sc_vector_subcore>, window_params = [{transform_indices = #map}, {transform_indices = #map}, {transform_indices = #map}, {transform_indices = #map}]} {
    %mul3A = arith.constant 2 : i32
    %mul3A_0 = arith.muli %arg1, %mul3A : i32
    %add3A = arith.addi %mul3A_0, %arg0 : i32
    %mul3A_1 = arith.constant 128 : i32
    %mul3A_2 = arith.muli %add3A, %mul3A_1 : i32
    %mul3A_3 = arith.constant 283 : i32
    %mul3A_4 = arith.muli %mul3A_2, %mul3A_3 : i32
    "tpu.region"() ({
      %run_scoped3A = tpu.sem_alloc : memref<!tpu.dma_semaphore, #tpu.memory_space<semaphore_mem>>
      %dma_start3A = tpu.memref_slice %arg2[%mul3A_4] : memref<1159168xi32, #tpu.memory_space<hbm>> -> memref<36224xi32, #tpu.memory_space<hbm>>
      %dma_start3A_140 = tpu.memref_slice %arg2[%mul3A_4] : memref<1159168xi32, #tpu.memory_space<hbm>> -> memref<36224xi32, #tpu.memory_space<hbm>>
      tpu.enqueue_dma source(%dma_start3A_140 : memref<36224xi32, #tpu.memory_space<hbm>>) target(%arg6 : memref<36224xi32, #tpu.memory_space<vmem>>) target_semaphore(%run_scoped3A : memref<!tpu.dma_semaphore, #tpu.memory_space<semaphore_mem>>)
      %dma_wait3A_141 = tpu.memref_slice %arg2[%mul3A_4] : memref<1159168xi32, #tpu.memory_space<hbm>> -> memref<36224xi32, #tpu.memory_space<hbm>>
      %dma_wait3A_142 = tpu.memref_slice %arg2[%mul3A_4] : memref<1159168xi32, #tpu.memory_space<hbm>> -> memref<36224xi32, #tpu.memory_space<hbm>>
      tpu.wait_dma2 semaphore(%run_scoped3A : memref<!tpu.dma_semaphore, #tpu.memory_space<semaphore_mem>>) src(%dma_wait3A_142 : memref<36224xi32, #tpu.memory_space<hbm>>) dst(%arg6 : memref<36224xi32, #tpu.memory_space<vmem>>)
      tpu.yield
    }) : () -> ()
    "tpu.region"() ({
      %run_scoped3A = tpu.sem_alloc : memref<!tpu.dma_semaphore, #tpu.memory_space<semaphore_mem>>
      tpu.enqueue_dma source(%arg4 : memref<51350xf32, #tpu.memory_space<hbm>>) target(%arg7 : memref<51350xf32, #tpu.memory_space<vmem>>) target_semaphore(%run_scoped3A : memref<!tpu.dma_semaphore, #tpu.memory_space<semaphore_mem>>)
      tpu.wait_dma2 semaphore(%run_scoped3A : memref<!tpu.dma_semaphore, #tpu.memory_space<semaphore_mem>>) src(%arg4 : memref<51350xf32, #tpu.memory_space<hbm>>) dst(%arg7 : memref<51350xf32, #tpu.memory_space<vmem>>)
      tpu.yield
    }) : () -> ()
    "tpu.region"() ({
      %run_scoped3A = tpu.sem_alloc : memref<!tpu.dma_semaphore, #tpu.memory_space<semaphore_mem>>
      %dma_start3A = arith.constant 0 : i32
      %dma_start3A_140 = tpu.memref_slice %arg8[%dma_start3A] : memref<288xi32, #tpu.memory_space<vmem>> -> memref<283xi32, #tpu.memory_space<vmem>>
      %dma_start3A_141 = arith.constant 0 : i32
      %dma_start3A_142 = tpu.memref_slice %arg8[%dma_start3A_141] : memref<288xi32, #tpu.memory_space<vmem>> -> memref<283xi32, #tpu.memory_space<vmem>>
      tpu.enqueue_dma source(%arg3 : memref<283xi32, #tpu.memory_space<hbm>>) target(%dma_start3A_142 : memref<283xi32, #tpu.memory_space<vmem>>) target_semaphore(%run_scoped3A : memref<!tpu.dma_semaphore, #tpu.memory_space<semaphore_mem>>)
      %dma_wait3A_143 = arith.constant 0 : i32
      %dma_wait3A_144 = tpu.memref_slice %arg8[%dma_wait3A_143] : memref<288xi32, #tpu.memory_space<vmem>> -> memref<283xi32, #tpu.memory_space<vmem>>
      %dma_wait3A_145 = arith.constant 0 : i32
      %dma_wait3A_146 = tpu.memref_slice %arg8[%dma_wait3A_145] : memref<288xi32, #tpu.memory_space<vmem>> -> memref<283xi32, #tpu.memory_space<vmem>>
      tpu.wait_dma2 semaphore(%run_scoped3A : memref<!tpu.dma_semaphore, #tpu.memory_space<semaphore_mem>>) src(%arg3 : memref<283xi32, #tpu.memory_space<hbm>>) dst(%dma_wait3A_146 : memref<283xi32, #tpu.memory_space<vmem>>)
      tpu.yield
    }) : () -> ()
    %iota3A = tpu.iota {dimensions = array<i32: 0>} : vector<16xi32>
    %mul3A_5 = arith.constant 283 : i32
    %mul3A_6 = vector.broadcast %mul3A_5 : i32 to vector<16xi32>
    %mul3A_7 = arith.muli %iota3A, %mul3A_6 : vector<16xi32>
    %scan3A = arith.constant 0 : i32
    %scan3A_8 = arith.constant 0 : i32
    %scan3A_9 = arith.constant 2264 : i32
    %scan3A_10 = arith.addi %scan3A_8, %scan3A_9 : i32
    %scan3A_11 = arith.constant 1 : i32
    scf.for %scan3A_140 = %scan3A_8 to %scan3A_10 step %scan3A_11  : i32 {
      %shift_right_arithmetic3A = arith.constant 3 : i32
      %shift_right_arithmetic3A_141 = arith.shrsi %scan3A_140, %shift_right_arithmetic3A : i32
      %and3A = arith.constant 7 : i32
      %and3A_142 = arith.andi %scan3A_140, %and3A : i32
      %and3A_143 = arith.constant 1 : i32
      %and3A_144 = arith.andi %shift_right_arithmetic3A_141, %and3A_143 : i32
      %mul3A_145 = arith.constant 8192 : i32
      %mul3A_146 = arith.muli %and3A_144, %mul3A_145 : i32
      %eq3A = arith.constant 0 : i32
      %eq3A_147 = arith.cmpi eq, %and3A_142, %eq3A : i32
      %ge3A = arith.constant 2 : i32
      %ge3A_148 = arith.cmpi sge, %shift_right_arithmetic3A_141, %ge3A : i32
      %and3A_149 = arith.andi %eq3A_147, %ge3A_148 : i1
      %eq3A_150 = arith.constant 0 : i32
      %eq3A_151 = arith.cmpi eq, %and3A_144, %eq3A_150 : i32
      %and3A_152 = arith.andi %and3A_149, %eq3A_151 : i1
      %convert_element_type3A = arith.extui %and3A_152 : i1 to i32
      %cond3A = arith.constant 0 : i32
      %cond3A_153 = arith.cmpi ne, %convert_element_type3A, %cond3A : i32
      scf.if %cond3A_153 {
        %dma_wait3A_840 = arith.constant 0 : i32
        %dma_wait3A_841 = tpu.memref_slice %arg9[%dma_wait3A_840] : memref<16384xf32, #tpu.memory_space<vmem>> -> memref<1024xf32, #tpu.memory_space<vmem>>
        %dma_wait3A_842 = arith.constant 0 : i32
        %dma_wait3A_843 = tpu.memref_slice %arg5[%dma_wait3A_842] : memref<74186752xf32, #tpu.memory_space<hbm>> -> memref<1024xf32, #tpu.memory_space<hbm>>
        %dma_wait3A_844 = arith.constant 0 : i32
        %dma_wait3A_845 = tpu.memref_slice %arg5[%dma_wait3A_844] : memref<74186752xf32, #tpu.memory_space<hbm>> -> memref<1024xf32, #tpu.memory_space<hbm>>
        %dma_wait3A_846 = arith.constant 0 : i32
        %dma_wait3A_847 = tpu.memref_slice %arg9[%dma_wait3A_846] : memref<16384xf32, #tpu.memory_space<vmem>> -> memref<1024xf32, #tpu.memory_space<vmem>>
        tpu.wait_dma2 semaphore(%arg10 : memref<!tpu.dma_semaphore, #tpu.memory_space<semaphore_mem>>) src(%dma_wait3A_847 : memref<1024xf32, #tpu.memory_space<vmem>>) dst(%dma_wait3A_845 : memref<1024xf32, #tpu.memory_space<hbm>>)
        %dma_wait3A_848 = arith.constant 0 : i32
        %dma_wait3A_849 = tpu.memref_slice %arg9[%dma_wait3A_848] : memref<16384xf32, #tpu.memory_space<vmem>> -> memref<1024xf32, #tpu.memory_space<vmem>>
        %dma_wait3A_850 = arith.constant 0 : i32
        %dma_wait3A_851 = tpu.memref_slice %arg5[%dma_wait3A_850] : memref<74186752xf32, #tpu.memory_space<hbm>> -> memref<1024xf32, #tpu.memory_space<hbm>>
        %dma_wait3A_852 = arith.constant 0 : i32
        %dma_wait3A_853 = tpu.memref_slice %arg5[%dma_wait3A_852] : memref<74186752xf32, #tpu.memory_space<hbm>> -> memref<1024xf32, #tpu.memory_space<hbm>>
        %dma_wait3A_854 = arith.constant 0 : i32
        %dma_wait3A_855 = tpu.memref_slice %arg9[%dma_wait3A_854] : memref<16384xf32, #tpu.memory_space<vmem>> -> memref<1024xf32, #tpu.memory_space<vmem>>
        tpu.wait_dma2 semaphore(%arg10 : memref<!tpu.dma_semaphore, #tpu.memory_space<semaphore_mem>>) src(%dma_wait3A_855 : memref<1024xf32, #tpu.memory_space<vmem>>) dst(%dma_wait3A_853 : memref<1024xf32, #tpu.memory_space<hbm>>)
        %dma_wait3A_856 = arith.constant 0 : i32
        %dma_wait3A_857 = tpu.memref_slice %arg9[%dma_wait3A_856] : memref<16384xf32, #tpu.memory_space<vmem>> -> memref<1024xf32, #tpu.memory_space<vmem>>
        %dma_wait3A_858 = arith.constant 0 : i32
        %dma_wait3A_859 = tpu.memref_slice %arg5[%dma_wait3A_858] : memref<74186752xf32, #tpu.memory_space<hbm>> -> memref<1024xf32, #tpu.memory_space<hbm>>
        %dma_wait3A_860 = arith.constant 0 : i32
        %dma_wait3A_861 = tpu.memref_slice %arg5[%dma_wait3A_860] : memref<74186752xf32, #tpu.memory_space<hbm>> -> memref<1024xf32, #tpu.memory_space<hbm>>
        %dma_wait3A_862 = arith.constant 0 : i32
        %dma_wait3A_863 = tpu.memref_slice %arg9[%dma_wait3A_862] : memref<16384xf32, #tpu.memory_space<vmem>> -> memref<1024xf32, #tpu.memory_space<vmem>>
        tpu.wait_dma2 semaphore(%arg10 : memref<!tpu.dma_semaphore, #tpu.memory_space<semaphore_mem>>) src(%dma_wait3A_863 : memref<1024xf32, #tpu.memory_space<vmem>>) dst(%dma_wait3A_861 : memref<1024xf32, #tpu.memory_space<hbm>>)
        %dma_wait3A_864 = arith.constant 0 : i32
        %dma_wait3A_865 = tpu.memref_slice %arg9[%dma_wait3A_864] : memref<16384xf32, #tpu.memory_space<vmem>> -> memref<1024xf32, #tpu.memory_space<vmem>>
        %dma_wait3A_866 = arith.constant 0 : i32
        %dma_wait3A_867 = tpu.memref_slice %arg5[%dma_wait3A_866] : memref<74186752xf32, #tpu.memory_space<hbm>> -> memref<1024xf32, #tpu.memory_space<hbm>>
        %dma_wait3A_868 = arith.constant 0 : i32
        %dma_wait3A_869 = tpu.memref_slice %arg5[%dma_wait3A_868] : memref<74186752xf32, #tpu.memory_space<hbm>> -> memref<1024xf32, #tpu.memory_space<hbm>>
        %dma_wait3A_870 = arith.constant 0 : i32
        %dma_wait3A_871 = tpu.memref_slice %arg9[%dma_wait3A_870] : memref<16384xf32, #tpu.memory_space<vmem>> -> memref<1024xf32, #tpu.memory_space<vmem>>
        tpu.wait_dma2 semaphore(%arg10 : memref<!tpu.dma_semaphore, #tpu.memory_space<semaphore_mem>>) src(%dma_wait3A_871 : memref<1024xf32, #tpu.memory_space<vmem>>) dst(%dma_wait3A_869 : memref<1024xf32, #tpu.memory_space<hbm>>)
        %dma_wait3A_872 = arith.constant 0 : i32
        %dma_wait3A_873 = tpu.memref_slice %arg9[%dma_wait3A_872] : memref<16384xf32, #tpu.memory_space<vmem>> -> memref<1024xf32, #tpu.memory_space<vmem>>
        %dma_wait3A_874 = arith.constant 0 : i32
        %dma_wait3A_875 = tpu.memref_slice %arg5[%dma_wait3A_874] : memref<74186752xf32, #tpu.memory_space<hbm>> -> memref<1024xf32, #tpu.memory_space<hbm>>
        %dma_wait3A_876 = arith.constant 0 : i32
        %dma_wait3A_877 = tpu.memref_slice %arg5[%dma_wait3A_876] : memref<74186752xf32, #tpu.memory_space<hbm>> -> memref<1024xf32, #tpu.memory_space<hbm>>
        %dma_wait3A_878 = arith.constant 0 : i32
        %dma_wait3A_879 = tpu.memref_slice %arg9[%dma_wait3A_878] : memref<16384xf32, #tpu.memory_space<vmem>> -> memref<1024xf32, #tpu.memory_space<vmem>>
        tpu.wait_dma2 semaphore(%arg10 : memref<!tpu.dma_semaphore, #tpu.memory_space<semaphore_mem>>) src(%dma_wait3A_879 : memref<1024xf32, #tpu.memory_space<vmem>>) dst(%dma_wait3A_877 : memref<1024xf32, #tpu.memory_space<hbm>>)
        %dma_wait3A_880 = arith.constant 0 : i32
        %dma_wait3A_881 = tpu.memref_slice %arg9[%dma_wait3A_880] : memref<16384xf32, #tpu.memory_space<vmem>> -> memref<1024xf32, #tpu.memory_space<vmem>>
        %dma_wait3A_882 = arith.constant 0 : i32
        %dma_wait3A_883 = tpu.memref_slice %arg5[%dma_wait3A_882] : memref<74186752xf32, #tpu.memory_space<hbm>> -> memref<1024xf32, #tpu.memory_space<hbm>>
        %dma_wait3A_884 = arith.constant 0 : i32
        %dma_wait3A_885 = tpu.memref_slice %arg5[%dma_wait3A_884] : memref<74186752xf32, #tpu.memory_space<hbm>> -> memref<1024xf32, #tpu.memory_space<hbm>>
        %dma_wait3A_886 = arith.constant 0 : i32
        %dma_wait3A_887 = tpu.memref_slice %arg9[%dma_wait3A_886] : memref<16384xf32, #tpu.memory_space<vmem>> -> memref<1024xf32, #tpu.memory_space<vmem>>
        tpu.wait_dma2 semaphore(%arg10 : memref<!tpu.dma_semaphore, #tpu.memory_space<semaphore_mem>>) src(%dma_wait3A_887 : memref<1024xf32, #tpu.memory_space<vmem>>) dst(%dma_wait3A_885 : memref<1024xf32, #tpu.memory_space<hbm>>)
        %dma_wait3A_888 = arith.constant 0 : i32
        %dma_wait3A_889 = tpu.memref_slice %arg9[%dma_wait3A_888] : memref<16384xf32, #tpu.memory_space<vmem>> -> memref<1024xf32, #tpu.memory_space<vmem>>
        %dma_wait3A_890 = arith.constant 0 : i32
        %dma_wait3A_891 = tpu.memref_slice %arg5[%dma_wait3A_890] : memref<74186752xf32, #tpu.memory_space<hbm>> -> memref<1024xf32, #tpu.memory_space<hbm>>
        %dma_wait3A_892 = arith.constant 0 : i32
        %dma_wait3A_893 = tpu.memref_slice %arg5[%dma_wait3A_892] : memref<74186752xf32, #tpu.memory_space<hbm>> -> memref<1024xf32, #tpu.memory_space<hbm>>
        %dma_wait3A_894 = arith.constant 0 : i32
        %dma_wait3A_895 = tpu.memref_slice %arg9[%dma_wait3A_894] : memref<16384xf32, #tpu.memory_space<vmem>> -> memref<1024xf32, #tpu.memory_space<vmem>>
        tpu.wait_dma2 semaphore(%arg10 : memref<!tpu.dma_semaphore, #tpu.memory_space<semaphore_mem>>) src(%dma_wait3A_895 : memref<1024xf32, #tpu.memory_space<vmem>>) dst(%dma_wait3A_893 : memref<1024xf32, #tpu.memory_space<hbm>>)
        %dma_wait3A_896 = arith.constant 0 : i32
        %dma_wait3A_897 = tpu.memref_slice %arg9[%dma_wait3A_896] : memref<16384xf32, #tpu.memory_space<vmem>> -> memref<1024xf32, #tpu.memory_space<vmem>>
        %dma_wait3A_898 = arith.constant 0 : i32
        %dma_wait3A_899 = tpu.memref_slice %arg5[%dma_wait3A_898] : memref<74186752xf32, #tpu.memory_space<hbm>> -> memref<1024xf32, #tpu.memory_space<hbm>>
        %dma_wait3A_900 = arith.constant 0 : i32
        %dma_wait3A_901 = tpu.memref_slice %arg5[%dma_wait3A_900] : memref<74186752xf32, #tpu.memory_space<hbm>> -> memref<1024xf32, #tpu.memory_space<hbm>>
        %dma_wait3A_902 = arith.constant 0 : i32
        %dma_wait3A_903 = tpu.memref_slice %arg9[%dma_wait3A_902] : memref<16384xf32, #tpu.memory_space<vmem>> -> memref<1024xf32, #tpu.memory_space<vmem>>
        tpu.wait_dma2 semaphore(%arg10 : memref<!tpu.dma_semaphore, #tpu.memory_space<semaphore_mem>>) src(%dma_wait3A_903 : memref<1024xf32, #tpu.memory_space<vmem>>) dst(%dma_wait3A_901 : memref<1024xf32, #tpu.memory_space<hbm>>)
      } else {
      }
      %eq3A_154 = arith.constant 0 : i32
      %eq3A_155 = arith.cmpi eq, %and3A_142, %eq3A_154 : i32
      %ge3A_156 = arith.constant 2 : i32
      %ge3A_157 = arith.cmpi sge, %shift_right_arithmetic3A_141, %ge3A_156 : i32
      %and3A_158 = arith.andi %eq3A_155, %ge3A_157 : i1
      %eq3A_159 = arith.constant 1 : i32
      %eq3A_160 = arith.cmpi eq, %and3A_144, %eq3A_159 : i32
      %and3A_161 = arith.andi %and3A_158, %eq3A_160 : i1
      %convert_element_type3A_162 = arith.extui %and3A_161 : i1 to i32
      %cond3A_163 = arith.constant 0 : i32
      %cond3A_164 = arith.cmpi ne, %convert_element_type3A_162, %cond3A_163 : i32
      scf.if %cond3A_164 {
        %dma_wait3A_840 = arith.constant 0 : i32
        %dma_wait3A_841 = tpu.memref_slice %arg9[%dma_wait3A_840] : memref<16384xf32, #tpu.memory_space<vmem>> -> memref<1024xf32, #tpu.memory_space<vmem>>
        %dma_wait3A_842 = arith.constant 0 : i32
        %dma_wait3A_843 = tpu.memref_slice %arg5[%dma_wait3A_842] : memref<74186752xf32, #tpu.memory_space<hbm>> -> memref<1024xf32, #tpu.memory_space<hbm>>
        %dma_wait3A_844 = arith.constant 0 : i32
        %dma_wait3A_845 = tpu.memref_slice %arg5[%dma_wait3A_844] : memref<74186752xf32, #tpu.memory_space<hbm>> -> memref<1024xf32, #tpu.memory_space<hbm>>
        %dma_wait3A_846 = arith.constant 0 : i32
        %dma_wait3A_847 = tpu.memref_slice %arg9[%dma_wait3A_846] : memref<16384xf32, #tpu.memory_space<vmem>> -> memref<1024xf32, #tpu.memory_space<vmem>>
        tpu.wait_dma2 semaphore(%arg11 : memref<!tpu.dma_semaphore, #tpu.memory_space<semaphore_mem>>) src(%dma_wait3A_847 : memref<1024xf32, #tpu.memory_space<vmem>>) dst(%dma_wait3A_845 : memref<1024xf32, #tpu.memory_space<hbm>>)
        %dma_wait3A_848 = arith.constant 0 : i32
        %dma_wait3A_849 = tpu.memref_slice %arg9[%dma_wait3A_848] : memref<16384xf32, #tpu.memory_space<vmem>> -> memref<1024xf32, #tpu.memory_space<vmem>>
        %dma_wait3A_850 = arith.constant 0 : i32
        %dma_wait3A_851 = tpu.memref_slice %arg5[%dma_wait3A_850] : memref<74186752xf32, #tpu.memory_space<hbm>> -> memref<1024xf32, #tpu.memory_space<hbm>>
        %dma_wait3A_852 = arith.constant 0 : i32
        %dma_wait3A_853 = tpu.memref_slice %arg5[%dma_wait3A_852] : memref<74186752xf32, #tpu.memory_space<hbm>> -> memref<1024xf32, #tpu.memory_space<hbm>>
        %dma_wait3A_854 = arith.constant 0 : i32
        %dma_wait3A_855 = tpu.memref_slice %arg9[%dma_wait3A_854] : memref<16384xf32, #tpu.memory_space<vmem>> -> memref<1024xf32, #tpu.memory_space<vmem>>
        tpu.wait_dma2 semaphore(%arg11 : memref<!tpu.dma_semaphore, #tpu.memory_space<semaphore_mem>>) src(%dma_wait3A_855 : memref<1024xf32, #tpu.memory_space<vmem>>) dst(%dma_wait3A_853 : memref<1024xf32, #tpu.memory_space<hbm>>)
        %dma_wait3A_856 = arith.constant 0 : i32
        %dma_wait3A_857 = tpu.memref_slice %arg9[%dma_wait3A_856] : memref<16384xf32, #tpu.memory_space<vmem>> -> memref<1024xf32, #tpu.memory_space<vmem>>
        %dma_wait3A_858 = arith.constant 0 : i32
        %dma_wait3A_859 = tpu.memref_slice %arg5[%dma_wait3A_858] : memref<74186752xf32, #tpu.memory_space<hbm>> -> memref<1024xf32, #tpu.memory_space<hbm>>
        %dma_wait3A_860 = arith.constant 0 : i32
        %dma_wait3A_861 = tpu.memref_slice %arg5[%dma_wait3A_860] : memref<74186752xf32, #tpu.memory_space<hbm>> -> memref<1024xf32, #tpu.memory_space<hbm>>
        %dma_wait3A_862 = arith.constant 0 : i32
        %dma_wait3A_863 = tpu.memref_slice %arg9[%dma_wait3A_862] : memref<16384xf32, #tpu.memory_space<vmem>> -> memref<1024xf32, #tpu.memory_space<vmem>>
        tpu.wait_dma2 semaphore(%arg11 : memref<!tpu.dma_semaphore, #tpu.memory_space<semaphore_mem>>) src(%dma_wait3A_863 : memref<1024xf32, #tpu.memory_space<vmem>>) dst(%dma_wait3A_861 : memref<1024xf32, #tpu.memory_space<hbm>>)
        %dma_wait3A_864 = arith.constant 0 : i32
        %dma_wait3A_865 = tpu.memref_slice %arg9[%dma_wait3A_864] : memref<16384xf32, #tpu.memory_space<vmem>> -> memref<1024xf32, #tpu.memory_space<vmem>>
        %dma_wait3A_866 = arith.constant 0 : i32
        %dma_wait3A_867 = tpu.memref_slice %arg5[%dma_wait3A_866] : memref<74186752xf32, #tpu.memory_space<hbm>> -> memref<1024xf32, #tpu.memory_space<hbm>>
        %dma_wait3A_868 = arith.constant 0 : i32
        %dma_wait3A_869 = tpu.memref_slice %arg5[%dma_wait3A_868] : memref<74186752xf32, #tpu.memory_space<hbm>> -> memref<1024xf32, #tpu.memory_space<hbm>>
        %dma_wait3A_870 = arith.constant 0 : i32
        %dma_wait3A_871 = tpu.memref_slice %arg9[%dma_wait3A_870] : memref<16384xf32, #tpu.memory_space<vmem>> -> memref<1024xf32, #tpu.memory_space<vmem>>
        tpu.wait_dma2 semaphore(%arg11 : memref<!tpu.dma_semaphore, #tpu.memory_space<semaphore_mem>>) src(%dma_wait3A_871 : memref<1024xf32, #tpu.memory_space<vmem>>) dst(%dma_wait3A_869 : memref<1024xf32, #tpu.memory_space<hbm>>)
        %dma_wait3A_872 = arith.constant 0 : i32
        %dma_wait3A_873 = tpu.memref_slice %arg9[%dma_wait3A_872] : memref<16384xf32, #tpu.memory_space<vmem>> -> memref<1024xf32, #tpu.memory_space<vmem>>
        %dma_wait3A_874 = arith.constant 0 : i32
        %dma_wait3A_875 = tpu.memref_slice %arg5[%dma_wait3A_874] : memref<74186752xf32, #tpu.memory_space<hbm>> -> memref<1024xf32, #tpu.memory_space<hbm>>
        %dma_wait3A_876 = arith.constant 0 : i32
        %dma_wait3A_877 = tpu.memref_slice %arg5[%dma_wait3A_876] : memref<74186752xf32, #tpu.memory_space<hbm>> -> memref<1024xf32, #tpu.memory_space<hbm>>
        %dma_wait3A_878 = arith.constant 0 : i32
        %dma_wait3A_879 = tpu.memref_slice %arg9[%dma_wait3A_878] : memref<16384xf32, #tpu.memory_space<vmem>> -> memref<1024xf32, #tpu.memory_space<vmem>>
        tpu.wait_dma2 semaphore(%arg11 : memref<!tpu.dma_semaphore, #tpu.memory_space<semaphore_mem>>) src(%dma_wait3A_879 : memref<1024xf32, #tpu.memory_space<vmem>>) dst(%dma_wait3A_877 : memref<1024xf32, #tpu.memory_space<hbm>>)
        %dma_wait3A_880 = arith.constant 0 : i32
        %dma_wait3A_881 = tpu.memref_slice %arg9[%dma_wait3A_880] : memref<16384xf32, #tpu.memory_space<vmem>> -> memref<1024xf32, #tpu.memory_space<vmem>>
        %dma_wait3A_882 = arith.constant 0 : i32
        %dma_wait3A_883 = tpu.memref_slice %arg5[%dma_wait3A_882] : memref<74186752xf32, #tpu.memory_space<hbm>> -> memref<1024xf32, #tpu.memory_space<hbm>>
        %dma_wait3A_884 = arith.constant 0 : i32
        %dma_wait3A_885 = tpu.memref_slice %arg5[%dma_wait3A_884] : memref<74186752xf32, #tpu.memory_space<hbm>> -> memref<1024xf32, #tpu.memory_space<hbm>>
        %dma_wait3A_886 = arith.constant 0 : i32
        %dma_wait3A_887 = tpu.memref_slice %arg9[%dma_wait3A_886] : memref<16384xf32, #tpu.memory_space<vmem>> -> memref<1024xf32, #tpu.memory_space<vmem>>
        tpu.wait_dma2 semaphore(%arg11 : memref<!tpu.dma_semaphore, #tpu.memory_space<semaphore_mem>>) src(%dma_wait3A_887 : memref<1024xf32, #tpu.memory_space<vmem>>) dst(%dma_wait3A_885 : memref<1024xf32, #tpu.memory_space<hbm>>)
        %dma_wait3A_888 = arith.constant 0 : i32
        %dma_wait3A_889 = tpu.memref_slice %arg9[%dma_wait3A_888] : memref<16384xf32, #tpu.memory_space<vmem>> -> memref<1024xf32, #tpu.memory_space<vmem>>
        %dma_wait3A_890 = arith.constant 0 : i32
        %dma_wait3A_891 = tpu.memref_slice %arg5[%dma_wait3A_890] : memref<74186752xf32, #tpu.memory_space<hbm>> -> memref<1024xf32, #tpu.memory_space<hbm>>
        %dma_wait3A_892 = arith.constant 0 : i32
        %dma_wait3A_893 = tpu.memref_slice %arg5[%dma_wait3A_892] : memref<74186752xf32, #tpu.memory_space<hbm>> -> memref<1024xf32, #tpu.memory_space<hbm>>
        %dma_wait3A_894 = arith.constant 0 : i32
        %dma_wait3A_895 = tpu.memref_slice %arg9[%dma_wait3A_894] : memref<16384xf32, #tpu.memory_space<vmem>> -> memref<1024xf32, #tpu.memory_space<vmem>>
        tpu.wait_dma2 semaphore(%arg11 : memref<!tpu.dma_semaphore, #tpu.memory_space<semaphore_mem>>) src(%dma_wait3A_895 : memref<1024xf32, #tpu.memory_space<vmem>>) dst(%dma_wait3A_893 : memref<1024xf32, #tpu.memory_space<hbm>>)
        %dma_wait3A_896 = arith.constant 0 : i32
        %dma_wait3A_897 = tpu.memref_slice %arg9[%dma_wait3A_896] : memref<16384xf32, #tpu.memory_space<vmem>> -> memref<1024xf32, #tpu.memory_space<vmem>>
        %dma_wait3A_898 = arith.constant 0 : i32
        %dma_wait3A_899 = tpu.memref_slice %arg5[%dma_wait3A_898] : memref<74186752xf32, #tpu.memory_space<hbm>> -> memref<1024xf32, #tpu.memory_space<hbm>>
        %dma_wait3A_900 = arith.constant 0 : i32
        %dma_wait3A_901 = tpu.memref_slice %arg5[%dma_wait3A_900] : memref<74186752xf32, #tpu.memory_space<hbm>> -> memref<1024xf32, #tpu.memory_space<hbm>>
        %dma_wait3A_902 = arith.constant 0 : i32
        %dma_wait3A_903 = tpu.memref_slice %arg9[%dma_wait3A_902] : memref<16384xf32, #tpu.memory_space<vmem>> -> memref<1024xf32, #tpu.memory_space<vmem>>
        tpu.wait_dma2 semaphore(%arg11 : memref<!tpu.dma_semaphore, #tpu.memory_space<semaphore_mem>>) src(%dma_wait3A_903 : memref<1024xf32, #tpu.memory_space<vmem>>) dst(%dma_wait3A_901 : memref<1024xf32, #tpu.memory_space<hbm>>)
      } else {
      }
      %broadcast_in_dim3A = vector.broadcast %shift_right_arithmetic3A_141 : i32 to vector<16xi32>
      %gather3A = tpu.vector_load_idx %arg8[%broadcast_in_dim3A] : memref<288xi32, #tpu.memory_space<vmem>>[vector<16xi32>], vector<16xi32>,
      %mul3A_165 = arith.constant 16 : i32
      %mul3A_166 = arith.muli %and3A_142, %mul3A_165 : i32
      %mul3A_167 = arith.constant 283 : i32
      %mul3A_168 = arith.muli %mul3A_166, %mul3A_167 : i32
      %add3A_169 = arith.addi %mul3A_168, %shift_right_arithmetic3A_141 : i32
      %add3A_170 = vector.broadcast %add3A_169 : i32 to vector<16xi32>
      %add3A_171 = arith.addi %mul3A_7, %add3A_170 : vector<16xi32>
      %gather3A_172 = tpu.vector_load_idx %arg6[%add3A_171] : memref<36224xi32, #tpu.memory_space<vmem>>[vector<16xi32>], vector<16xi32>,
      %add3A_173 = arith.addi %gather3A_172, %gather3A : vector<16xi32>
      %mul3A_174 = arith.constant 65 : i32
      %mul3A_175 = vector.broadcast %mul3A_174 : i32 to vector<16xi32>
      %mul3A_176 = arith.muli %add3A_173, %mul3A_175 : vector<16xi32>
      %mul3A_177 = arith.constant 16 : i32
      %mul3A_178 = arith.muli %and3A_142, %mul3A_177 : i32
      %add3A_179 = arith.addi %mul3A_146, %mul3A_178 : i32
      %add3A_180 = arith.constant 0 : i32
      %add3A_181 = vector.broadcast %add3A_180 : i32 to vector<16xi32>
      %add3A_182 = arith.addi %mul3A_176, %add3A_181 : vector<16xi32>
      %gather3A_183 = tpu.vector_load_idx %arg7[%add3A_182] : memref<51350xf32, #tpu.memory_space<vmem>>[vector<16xi32>], vector<16xf32>,
      %add3A_184 = arith.constant 1 : i32
      %add3A_185 = vector.broadcast %add3A_184 : i32 to vector<16xi32>
      %add3A_186 = arith.addi %mul3A_176, %add3A_185 : vector<16xi32>
      %gather3A_187 = tpu.vector_load_idx %arg7[%add3A_186] : memref<51350xf32, #tpu.memory_space<vmem>>[vector<16xi32>], vector<16xf32>,
      %add3A_188 = arith.constant 2 : i32
      %add3A_189 = vector.broadcast %add3A_188 : i32 to vector<16xi32>
      %add3A_190 = arith.addi %mul3A_176, %add3A_189 : vector<16xi32>
      %gather3A_191 = tpu.vector_load_idx %arg7[%add3A_190] : memref<51350xf32, #tpu.memory_space<vmem>>[vector<16xi32>], vector<16xf32>,
      %add3A_192 = arith.constant 3 : i32
      %add3A_193 = vector.broadcast %add3A_192 : i32 to vector<16xi32>
      %add3A_194 = arith.addi %mul3A_176, %add3A_193 : vector<16xi32>
      %gather3A_195 = tpu.vector_load_idx %arg7[%add3A_194] : memref<51350xf32, #tpu.memory_space<vmem>>[vector<16xi32>], vector<16xf32>,
      %add3A_196 = arith.constant 4 : i32
      %add3A_197 = vector.broadcast %add3A_196 : i32 to vector<16xi32>
      %add3A_198 = arith.addi %mul3A_176, %add3A_197 : vector<16xi32>
      %gather3A_199 = tpu.vector_load_idx %arg7[%add3A_198] : memref<51350xf32, #tpu.memory_space<vmem>>[vector<16xi32>], vector<16xf32>,
      %add3A_200 = arith.constant 5 : i32
      %add3A_201 = vector.broadcast %add3A_200 : i32 to vector<16xi32>
      %add3A_202 = arith.addi %mul3A_176, %add3A_201 : vector<16xi32>
      %gather3A_203 = tpu.vector_load_idx %arg7[%add3A_202] : memref<51350xf32, #tpu.memory_space<vmem>>[vector<16xi32>], vector<16xf32>,
      %add3A_204 = arith.constant 6 : i32
      %add3A_205 = vector.broadcast %add3A_204 : i32 to vector<16xi32>
      %add3A_206 = arith.addi %mul3A_176, %add3A_205 : vector<16xi32>
      %gather3A_207 = tpu.vector_load_idx %arg7[%add3A_206] : memref<51350xf32, #tpu.memory_space<vmem>>[vector<16xi32>], vector<16xf32>,
      %add3A_208 = arith.constant 7 : i32
      %add3A_209 = vector.broadcast %add3A_208 : i32 to vector<16xi32>
      %add3A_210 = arith.addi %mul3A_176, %add3A_209 : vector<16xi32>
      %gather3A_211 = tpu.vector_load_idx %arg7[%add3A_210] : memref<51350xf32, #tpu.memory_space<vmem>>[vector<16xi32>], vector<16xf32>,
      %add3A_212 = arith.constant 8 : i32
      %add3A_213 = vector.broadcast %add3A_212 : i32 to vector<16xi32>
      %add3A_214 = arith.addi %mul3A_176, %add3A_213 : vector<16xi32>
      %gather3A_215 = tpu.vector_load_idx %arg7[%add3A_214] : memref<51350xf32, #tpu.memory_space<vmem>>[vector<16xi32>], vector<16xf32>,
      %add3A_216 = arith.constant 9 : i32
      %add3A_217 = vector.broadcast %add3A_216 : i32 to vector<16xi32>
      %add3A_218 = arith.addi %mul3A_176, %add3A_217 : vector<16xi32>
      %gather3A_219 = tpu.vector_load_idx %arg7[%add3A_218] : memref<51350xf32, #tpu.memory_space<vmem>>[vector<16xi32>], vector<16xf32>,
      %add3A_220 = arith.constant 10 : i32
      %add3A_221 = vector.broadcast %add3A_220 : i32 to vector<16xi32>
      %add3A_222 = arith.addi %mul3A_176, %add3A_221 : vector<16xi32>
      %gather3A_223 = tpu.vector_load_idx %arg7[%add3A_222] : memref<51350xf32, #tpu.memory_space<vmem>>[vector<16xi32>], vector<16xf32>,
      %add3A_224 = arith.constant 11 : i32
      %add3A_225 = vector.broadcast %add3A_224 : i32 to vector<16xi32>
      %add3A_226 = arith.addi %mul3A_176, %add3A_225 : vector<16xi32>
      %gather3A_227 = tpu.vector_load_idx %arg7[%add3A_226] : memref<51350xf32, #tpu.memory_space<vmem>>[vector<16xi32>], vector<16xf32>,
      %add3A_228 = arith.constant 12 : i32
      %add3A_229 = vector.broadcast %add3A_228 : i32 to vector<16xi32>
      %add3A_230 = arith.addi %mul3A_176, %add3A_229 : vector<16xi32>
      %gather3A_231 = tpu.vector_load_idx %arg7[%add3A_230] : memref<51350xf32, #tpu.memory_space<vmem>>[vector<16xi32>], vector<16xf32>,
      %add3A_232 = arith.constant 13 : i32
      %add3A_233 = vector.broadcast %add3A_232 : i32 to vector<16xi32>
      %add3A_234 = arith.addi %mul3A_176, %add3A_233 : vector<16xi32>
      %gather3A_235 = tpu.vector_load_idx %arg7[%add3A_234] : memref<51350xf32, #tpu.memory_space<vmem>>[vector<16xi32>], vector<16xf32>,
      %add3A_236 = arith.constant 14 : i32
      %add3A_237 = vector.broadcast %add3A_236 : i32 to vector<16xi32>
      %add3A_238 = arith.addi %mul3A_176, %add3A_237 : vector<16xi32>
      %gather3A_239 = tpu.vector_load_idx %arg7[%add3A_238] : memref<51350xf32, #tpu.memory_space<vmem>>[vector<16xi32>], vector<16xf32>,
      %add3A_240 = arith.constant 15 : i32
      %add3A_241 = vector.broadcast %add3A_240 : i32 to vector<16xi32>
      %add3A_242 = arith.addi %mul3A_176, %add3A_241 : vector<16xi32>
      %gather3A_243 = tpu.vector_load_idx %arg7[%add3A_242] : memref<51350xf32, #tpu.memory_space<vmem>>[vector<16xi32>], vector<16xf32>,
      %add3A_244 = arith.constant 0 : i32
      %add3A_245 = arith.addi %add3A_179, %add3A_244 : i32
      %add3A_246 = arith.constant 0 : i32
      %add3A_247 = arith.addi %add3A_245, %add3A_246 : i32
      %swap3A = arith.index_cast %add3A_247 : i32 to index
      %swap3A_248 = tpu.vector_load %arg9[%swap3A] {strides = array<i32>} : memref<16384xf32, #tpu.memory_space<vmem>>, vector<16xf32>,
      tpu.vector_store %arg9[%swap3A], %gather3A_183 {strides = array<i32>} : memref<16384xf32, #tpu.memory_space<vmem>>, vector<16xf32>,
      %add3A_249 = arith.constant 0 : i32
      %add3A_250 = arith.addi %add3A_179, %add3A_249 : i32
      %add3A_251 = arith.constant 128 : i32
      %add3A_252 = arith.addi %add3A_250, %add3A_251 : i32
      %swap3A_253 = arith.index_cast %add3A_252 : i32 to index
      %swap3A_254 = tpu.vector_load %arg9[%swap3A_253] {strides = array<i32>} : memref<16384xf32, #tpu.memory_space<vmem>>, vector<16xf32>,
      tpu.vector_store %arg9[%swap3A_253], %gather3A_187 {strides = array<i32>} : memref<16384xf32, #tpu.memory_space<vmem>>, vector<16xf32>,
      %add3A_255 = arith.constant 0 : i32
      %add3A_256 = arith.addi %add3A_179, %add3A_255 : i32
      %add3A_257 = arith.constant 256 : i32
      %add3A_258 = arith.addi %add3A_256, %add3A_257 : i32
      %swap3A_259 = arith.index_cast %add3A_258 : i32 to index
      %swap3A_260 = tpu.vector_load %arg9[%swap3A_259] {strides = array<i32>} : memref<16384xf32, #tpu.memory_space<vmem>>, vector<16xf32>,
      tpu.vector_store %arg9[%swap3A_259], %gather3A_191 {strides = array<i32>} : memref<16384xf32, #tpu.memory_space<vmem>>, vector<16xf32>,
      %add3A_261 = arith.constant 0 : i32
      %add3A_262 = arith.addi %add3A_179, %add3A_261 : i32
      %add3A_263 = arith.constant 384 : i32
      %add3A_264 = arith.addi %add3A_262, %add3A_263 : i32
      %swap3A_265 = arith.index_cast %add3A_264 : i32 to index
      %swap3A_266 = tpu.vector_load %arg9[%swap3A_265] {strides = array<i32>} : memref<16384xf32, #tpu.memory_space<vmem>>, vector<16xf32>,
      tpu.vector_store %arg9[%swap3A_265], %gather3A_195 {strides = array<i32>} : memref<16384xf32, #tpu.memory_space<vmem>>, vector<16xf32>,
      %add3A_267 = arith.constant 0 : i32
      %add3A_268 = arith.addi %add3A_179, %add3A_267 : i32
      %add3A_269 = arith.constant 512 : i32
      %add3A_270 = arith.addi %add3A_268, %add3A_269 : i32
      %swap3A_271 = arith.index_cast %add3A_270 : i32 to index
      %swap3A_272 = tpu.vector_load %arg9[%swap3A_271] {strides = array<i32>} : memref<16384xf32, #tpu.memory_space<vmem>>, vector<16xf32>,
      tpu.vector_store %arg9[%swap3A_271], %gather3A_199 {strides = array<i32>} : memref<16384xf32, #tpu.memory_space<vmem>>, vector<16xf32>,
      %add3A_273 = arith.constant 0 : i32
      %add3A_274 = arith.addi %add3A_179, %add3A_273 : i32
      %add3A_275 = arith.constant 640 : i32
      %add3A_276 = arith.addi %add3A_274, %add3A_275 : i32
      %swap3A_277 = arith.index_cast %add3A_276 : i32 to index
      %swap3A_278 = tpu.vector_load %arg9[%swap3A_277] {strides = array<i32>} : memref<16384xf32, #tpu.memory_space<vmem>>, vector<16xf32>,
      tpu.vector_store %arg9[%swap3A_277], %gather3A_203 {strides = array<i32>} : memref<16384xf32, #tpu.memory_space<vmem>>, vector<16xf32>,
      %add3A_279 = arith.constant 0 : i32
      %add3A_280 = arith.addi %add3A_179, %add3A_279 : i32
      %add3A_281 = arith.constant 768 : i32
      %add3A_282 = arith.addi %add3A_280, %add3A_281 : i32
      %swap3A_283 = arith.index_cast %add3A_282 : i32 to index
      %swap3A_284 = tpu.vector_load %arg9[%swap3A_283] {strides = array<i32>} : memref<16384xf32, #tpu.memory_space<vmem>>, vector<16xf32>,
      tpu.vector_store %arg9[%swap3A_283], %gather3A_207 {strides = array<i32>} : memref<16384xf32, #tpu.memory_space<vmem>>, vector<16xf32>,
      %add3A_285 = arith.constant 0 : i32
      %add3A_286 = arith.addi %add3A_179, %add3A_285 : i32
      %add3A_287 = arith.constant 896 : i32
      %add3A_288 = arith.addi %add3A_286, %add3A_287 : i32
      %swap3A_289 = arith.index_cast %add3A_288 : i32 to index
      %swap3A_290 = tpu.vector_load %arg9[%swap3A_289] {strides = array<i32>} : memref<16384xf32, #tpu.memory_space<vmem>>, vector<16xf32>,
      tpu.vector_store %arg9[%swap3A_289], %gather3A_211 {strides = array<i32>} : memref<16384xf32, #tpu.memory_space<vmem>>, vector<16xf32>,
      %add3A_291 = arith.constant 1024 : i32
      %add3A_292 = arith.addi %add3A_179, %add3A_291 : i32
      %add3A_293 = arith.constant 0 : i32
      %add3A_294 = arith.addi %add3A_292, %add3A_293 : i32
      %swap3A_295 = arith.index_cast %add3A_294 : i32 to index
      %swap3A_296 = tpu.vector_load %arg9[%swap3A_295] {strides = array<i32>} : memref<16384xf32, #tpu.memory_space<vmem>>, vector<16xf32>,
      tpu.vector_store %arg9[%swap3A_295], %gather3A_215 {strides = array<i32>} : memref<16384xf32, #tpu.memory_space<vmem>>, vector<16xf32>,
      %add3A_297 = arith.constant 1024 : i32
      %add3A_298 = arith.addi %add3A_179, %add3A_297 : i32
      %add3A_299 = arith.constant 128 : i32
      %add3A_300 = arith.addi %add3A_298, %add3A_299 : i32
      %swap3A_301 = arith.index_cast %add3A_300 : i32 to index
      %swap3A_302 = tpu.vector_load %arg9[%swap3A_301] {strides = array<i32>} : memref<16384xf32, #tpu.memory_space<vmem>>, vector<16xf32>,
      tpu.vector_store %arg9[%swap3A_301], %gather3A_219 {strides = array<i32>} : memref<16384xf32, #tpu.memory_space<vmem>>, vector<16xf32>,
      %add3A_303 = arith.constant 1024 : i32
      %add3A_304 = arith.addi %add3A_179, %add3A_303 : i32
      %add3A_305 = arith.constant 256 : i32
      %add3A_306 = arith.addi %add3A_304, %add3A_305 : i32
      %swap3A_307 = arith.index_cast %add3A_306 : i32 to index
      %swap3A_308 = tpu.vector_load %arg9[%swap3A_307] {strides = array<i32>} : memref<16384xf32, #tpu.memory_space<vmem>>, vector<16xf32>,
      tpu.vector_store %arg9[%swap3A_307], %gather3A_223 {strides = array<i32>} : memref<16384xf32, #tpu.memory_space<vmem>>, vector<16xf32>,
      %add3A_309 = arith.constant 1024 : i32
      %add3A_310 = arith.addi %add3A_179, %add3A_309 : i32
      %add3A_311 = arith.constant 384 : i32
      %add3A_312 = arith.addi %add3A_310, %add3A_311 : i32
      %swap3A_313 = arith.index_cast %add3A_312 : i32 to index
      %swap3A_314 = tpu.vector_load %arg9[%swap3A_313] {strides = array<i32>} : memref<16384xf32, #tpu.memory_space<vmem>>, vector<16xf32>,
      tpu.vector_store %arg9[%swap3A_313], %gather3A_227 {strides = array<i32>} : memref<16384xf32, #tpu.memory_space<vmem>>, vector<16xf32>,
      %add3A_315 = arith.constant 1024 : i32
      %add3A_316 = arith.addi %add3A_179, %add3A_315 : i32
      %add3A_317 = arith.constant 512 : i32
      %add3A_318 = arith.addi %add3A_316, %add3A_317 : i32
      %swap3A_319 = arith.index_cast %add3A_318 : i32 to index
      %swap3A_320 = tpu.vector_load %arg9[%swap3A_319] {strides = array<i32>} : memref<16384xf32, #tpu.memory_space<vmem>>, vector<16xf32>,
      tpu.vector_store %arg9[%swap3A_319], %gather3A_231 {strides = array<i32>} : memref<16384xf32, #tpu.memory_space<vmem>>, vector<16xf32>,
      %add3A_321 = arith.constant 1024 : i32
      %add3A_322 = arith.addi %add3A_179, %add3A_321 : i32
      %add3A_323 = arith.constant 640 : i32
      %add3A_324 = arith.addi %add3A_322, %add3A_323 : i32
      %swap3A_325 = arith.index_cast %add3A_324 : i32 to index
      %swap3A_326 = tpu.vector_load %arg9[%swap3A_325] {strides = array<i32>} : memref<16384xf32, #tpu.memory_space<vmem>>, vector<16xf32>,
      tpu.vector_store %arg9[%swap3A_325], %gather3A_235 {strides = array<i32>} : memref<16384xf32, #tpu.memory_space<vmem>>, vector<16xf32>,
      %add3A_327 = arith.constant 1024 : i32
      %add3A_328 = arith.addi %add3A_179, %add3A_327 : i32
      %add3A_329 = arith.constant 768 : i32
      %add3A_330 = arith.addi %add3A_328, %add3A_329 : i32
      %swap3A_331 = arith.index_cast %add3A_330 : i32 to index
      %swap3A_332 = tpu.vector_load %arg9[%swap3A_331] {strides = array<i32>} : memref<16384xf32, #tpu.memory_space<vmem>>, vector<16xf32>,
      tpu.vector_store %arg9[%swap3A_331], %gather3A_239 {strides = array<i32>} : memref<16384xf32, #tpu.memory_space<vmem>>, vector<16xf32>,
      %add3A_333 = arith.constant 1024 : i32
      %add3A_334 = arith.addi %add3A_179, %add3A_333 : i32
      %add3A_335 = arith.constant 896 : i32
      %add3A_336 = arith.addi %add3A_334, %add3A_335 : i32
      %swap3A_337 = arith.index_cast %add3A_336 : i32 to index
      %swap3A_338 = tpu.vector_load %arg9[%swap3A_337] {strides = array<i32>} : memref<16384xf32, #tpu.memory_space<vmem>>, vector<16xf32>,
      tpu.vector_store %arg9[%swap3A_337], %gather3A_243 {strides = array<i32>} : memref<16384xf32, #tpu.memory_space<vmem>>, vector<16xf32>,
      %add3A_339 = arith.constant 16 : i32
      %add3A_340 = vector.broadcast %add3A_339 : i32 to vector<16xi32>
      %add3A_341 = arith.addi %mul3A_176, %add3A_340 : vector<16xi32>
      %gather3A_342 = tpu.vector_load_idx %arg7[%add3A_341] : memref<51350xf32, #tpu.memory_space<vmem>>[vector<16xi32>], vector<16xf32>,
      %add3A_343 = arith.constant 17 : i32
      %add3A_344 = vector.broadcast %add3A_343 : i32 to vector<16xi32>
      %add3A_345 = arith.addi %mul3A_176, %add3A_344 : vector<16xi32>
      %gather3A_346 = tpu.vector_load_idx %arg7[%add3A_345] : memref<51350xf32, #tpu.memory_space<vmem>>[vector<16xi32>], vector<16xf32>,
      %add3A_347 = arith.constant 18 : i32
      %add3A_348 = vector.broadcast %add3A_347 : i32 to vector<16xi32>
      %add3A_349 = arith.addi %mul3A_176, %add3A_348 : vector<16xi32>
      %gather3A_350 = tpu.vector_load_idx %arg7[%add3A_349] : memref<51350xf32, #tpu.memory_space<vmem>>[vector<16xi32>], vector<16xf32>,
      %add3A_351 = arith.constant 19 : i32
      %add3A_352 = vector.broadcast %add3A_351 : i32 to vector<16xi32>
      %add3A_353 = arith.addi %mul3A_176, %add3A_352 : vector<16xi32>
      %gather3A_354 = tpu.vector_load_idx %arg7[%add3A_353] : memref<51350xf32, #tpu.memory_space<vmem>>[vector<16xi32>], vector<16xf32>,
      %add3A_355 = arith.constant 20 : i32
      %add3A_356 = vector.broadcast %add3A_355 : i32 to vector<16xi32>
      %add3A_357 = arith.addi %mul3A_176, %add3A_356 : vector<16xi32>
      %gather3A_358 = tpu.vector_load_idx %arg7[%add3A_357] : memref<51350xf32, #tpu.memory_space<vmem>>[vector<16xi32>], vector<16xf32>,
      %add3A_359 = arith.constant 21 : i32
      %add3A_360 = vector.broadcast %add3A_359 : i32 to vector<16xi32>
      %add3A_361 = arith.addi %mul3A_176, %add3A_360 : vector<16xi32>
      %gather3A_362 = tpu.vector_load_idx %arg7[%add3A_361] : memref<51350xf32, #tpu.memory_space<vmem>>[vector<16xi32>], vector<16xf32>,
      %add3A_363 = arith.constant 22 : i32
      %add3A_364 = vector.broadcast %add3A_363 : i32 to vector<16xi32>
      %add3A_365 = arith.addi %mul3A_176, %add3A_364 : vector<16xi32>
      %gather3A_366 = tpu.vector_load_idx %arg7[%add3A_365] : memref<51350xf32, #tpu.memory_space<vmem>>[vector<16xi32>], vector<16xf32>,
      %add3A_367 = arith.constant 23 : i32
      %add3A_368 = vector.broadcast %add3A_367 : i32 to vector<16xi32>
      %add3A_369 = arith.addi %mul3A_176, %add3A_368 : vector<16xi32>
      %gather3A_370 = tpu.vector_load_idx %arg7[%add3A_369] : memref<51350xf32, #tpu.memory_space<vmem>>[vector<16xi32>], vector<16xf32>,
      %add3A_371 = arith.constant 24 : i32
      %add3A_372 = vector.broadcast %add3A_371 : i32 to vector<16xi32>
      %add3A_373 = arith.addi %mul3A_176, %add3A_372 : vector<16xi32>
      %gather3A_374 = tpu.vector_load_idx %arg7[%add3A_373] : memref<51350xf32, #tpu.memory_space<vmem>>[vector<16xi32>], vector<16xf32>,
      %add3A_375 = arith.constant 25 : i32
      %add3A_376 = vector.broadcast %add3A_375 : i32 to vector<16xi32>
      %add3A_377 = arith.addi %mul3A_176, %add3A_376 : vector<16xi32>
      %gather3A_378 = tpu.vector_load_idx %arg7[%add3A_377] : memref<51350xf32, #tpu.memory_space<vmem>>[vector<16xi32>], vector<16xf32>,
      %add3A_379 = arith.constant 26 : i32
      %add3A_380 = vector.broadcast %add3A_379 : i32 to vector<16xi32>
      %add3A_381 = arith.addi %mul3A_176, %add3A_380 : vector<16xi32>
      %gather3A_382 = tpu.vector_load_idx %arg7[%add3A_381] : memref<51350xf32, #tpu.memory_space<vmem>>[vector<16xi32>], vector<16xf32>,
      %add3A_383 = arith.constant 27 : i32
      %add3A_384 = vector.broadcast %add3A_383 : i32 to vector<16xi32>
      %add3A_385 = arith.addi %mul3A_176, %add3A_384 : vector<16xi32>
      %gather3A_386 = tpu.vector_load_idx %arg7[%add3A_385] : memref<51350xf32, #tpu.memory_space<vmem>>[vector<16xi32>], vector<16xf32>,
      %add3A_387 = arith.constant 28 : i32
      %add3A_388 = vector.broadcast %add3A_387 : i32 to vector<16xi32>
      %add3A_389 = arith.addi %mul3A_176, %add3A_388 : vector<16xi32>
      %gather3A_390 = tpu.vector_load_idx %arg7[%add3A_389] : memref<51350xf32, #tpu.memory_space<vmem>>[vector<16xi32>], vector<16xf32>,
      %add3A_391 = arith.constant 29 : i32
      %add3A_392 = vector.broadcast %add3A_391 : i32 to vector<16xi32>
      %add3A_393 = arith.addi %mul3A_176, %add3A_392 : vector<16xi32>
      %gather3A_394 = tpu.vector_load_idx %arg7[%add3A_393] : memref<51350xf32, #tpu.memory_space<vmem>>[vector<16xi32>], vector<16xf32>,
      %add3A_395 = arith.constant 30 : i32
      %add3A_396 = vector.broadcast %add3A_395 : i32 to vector<16xi32>
      %add3A_397 = arith.addi %mul3A_176, %add3A_396 : vector<16xi32>
      %gather3A_398 = tpu.vector_load_idx %arg7[%add3A_397] : memref<51350xf32, #tpu.memory_space<vmem>>[vector<16xi32>], vector<16xf32>,
      %add3A_399 = arith.constant 31 : i32
      %add3A_400 = vector.broadcast %add3A_399 : i32 to vector<16xi32>
      %add3A_401 = arith.addi %mul3A_176, %add3A_400 : vector<16xi32>
      %gather3A_402 = tpu.vector_load_idx %arg7[%add3A_401] : memref<51350xf32, #tpu.memory_space<vmem>>[vector<16xi32>], vector<16xf32>,
      %add3A_403 = arith.constant 2048 : i32
      %add3A_404 = arith.addi %add3A_179, %add3A_403 : i32
      %add3A_405 = arith.constant 0 : i32
      %add3A_406 = arith.addi %add3A_404, %add3A_405 : i32
      %swap3A_407 = arith.index_cast %add3A_406 : i32 to index
      %swap3A_408 = tpu.vector_load %arg9[%swap3A_407] {strides = array<i32>} : memref<16384xf32, #tpu.memory_space<vmem>>, vector<16xf32>,
      tpu.vector_store %arg9[%swap3A_407], %gather3A_342 {strides = array<i32>} : memref<16384xf32, #tpu.memory_space<vmem>>, vector<16xf32>,
      %add3A_409 = arith.constant 2048 : i32
      %add3A_410 = arith.addi %add3A_179, %add3A_409 : i32
      %add3A_411 = arith.constant 128 : i32
      %add3A_412 = arith.addi %add3A_410, %add3A_411 : i32
      %swap3A_413 = arith.index_cast %add3A_412 : i32 to index
      %swap3A_414 = tpu.vector_load %arg9[%swap3A_413] {strides = array<i32>} : memref<16384xf32, #tpu.memory_space<vmem>>, vector<16xf32>,
      tpu.vector_store %arg9[%swap3A_413], %gather3A_346 {strides = array<i32>} : memref<16384xf32, #tpu.memory_space<vmem>>, vector<16xf32>,
      %add3A_415 = arith.constant 2048 : i32
      %add3A_416 = arith.addi %add3A_179, %add3A_415 : i32
      %add3A_417 = arith.constant 256 : i32
      %add3A_418 = arith.addi %add3A_416, %add3A_417 : i32
      %swap3A_419 = arith.index_cast %add3A_418 : i32 to index
      %swap3A_420 = tpu.vector_load %arg9[%swap3A_419] {strides = array<i32>} : memref<16384xf32, #tpu.memory_space<vmem>>, vector<16xf32>,
      tpu.vector_store %arg9[%swap3A_419], %gather3A_350 {strides = array<i32>} : memref<16384xf32, #tpu.memory_space<vmem>>, vector<16xf32>,
      %add3A_421 = arith.constant 2048 : i32
      %add3A_422 = arith.addi %add3A_179, %add3A_421 : i32
      %add3A_423 = arith.constant 384 : i32
      %add3A_424 = arith.addi %add3A_422, %add3A_423 : i32
      %swap3A_425 = arith.index_cast %add3A_424 : i32 to index
      %swap3A_426 = tpu.vector_load %arg9[%swap3A_425] {strides = array<i32>} : memref<16384xf32, #tpu.memory_space<vmem>>, vector<16xf32>,
      tpu.vector_store %arg9[%swap3A_425], %gather3A_354 {strides = array<i32>} : memref<16384xf32, #tpu.memory_space<vmem>>, vector<16xf32>,
      %add3A_427 = arith.constant 2048 : i32
      %add3A_428 = arith.addi %add3A_179, %add3A_427 : i32
      %add3A_429 = arith.constant 512 : i32
      %add3A_430 = arith.addi %add3A_428, %add3A_429 : i32
      %swap3A_431 = arith.index_cast %add3A_430 : i32 to index
      %swap3A_432 = tpu.vector_load %arg9[%swap3A_431] {strides = array<i32>} : memref<16384xf32, #tpu.memory_space<vmem>>, vector<16xf32>,
      tpu.vector_store %arg9[%swap3A_431], %gather3A_358 {strides = array<i32>} : memref<16384xf32, #tpu.memory_space<vmem>>, vector<16xf32>,
      %add3A_433 = arith.constant 2048 : i32
      %add3A_434 = arith.addi %add3A_179, %add3A_433 : i32
      %add3A_435 = arith.constant 640 : i32
      %add3A_436 = arith.addi %add3A_434, %add3A_435 : i32
      %swap3A_437 = arith.index_cast %add3A_436 : i32 to index
      %swap3A_438 = tpu.vector_load %arg9[%swap3A_437] {strides = array<i32>} : memref<16384xf32, #tpu.memory_space<vmem>>, vector<16xf32>,
      tpu.vector_store %arg9[%swap3A_437], %gather3A_362 {strides = array<i32>} : memref<16384xf32, #tpu.memory_space<vmem>>, vector<16xf32>,
      %add3A_439 = arith.constant 2048 : i32
      %add3A_440 = arith.addi %add3A_179, %add3A_439 : i32
      %add3A_441 = arith.constant 768 : i32
      %add3A_442 = arith.addi %add3A_440, %add3A_441 : i32
      %swap3A_443 = arith.index_cast %add3A_442 : i32 to index
      %swap3A_444 = tpu.vector_load %arg9[%swap3A_443] {strides = array<i32>} : memref<16384xf32, #tpu.memory_space<vmem>>, vector<16xf32>,
      tpu.vector_store %arg9[%swap3A_443], %gather3A_366 {strides = array<i32>} : memref<16384xf32, #tpu.memory_space<vmem>>, vector<16xf32>,
      %add3A_445 = arith.constant 2048 : i32
      %add3A_446 = arith.addi %add3A_179, %add3A_445 : i32
      %add3A_447 = arith.constant 896 : i32
      %add3A_448 = arith.addi %add3A_446, %add3A_447 : i32
      %swap3A_449 = arith.index_cast %add3A_448 : i32 to index
      %swap3A_450 = tpu.vector_load %arg9[%swap3A_449] {strides = array<i32>} : memref<16384xf32, #tpu.memory_space<vmem>>, vector<16xf32>,
      tpu.vector_store %arg9[%swap3A_449], %gather3A_370 {strides = array<i32>} : memref<16384xf32, #tpu.memory_space<vmem>>, vector<16xf32>,
      %add3A_451 = arith.constant 3072 : i32
      %add3A_452 = arith.addi %add3A_179, %add3A_451 : i32
      %add3A_453 = arith.constant 0 : i32
      %add3A_454 = arith.addi %add3A_452, %add3A_453 : i32
      %swap3A_455 = arith.index_cast %add3A_454 : i32 to index
      %swap3A_456 = tpu.vector_load %arg9[%swap3A_455] {strides = array<i32>} : memref<16384xf32, #tpu.memory_space<vmem>>, vector<16xf32>,
      tpu.vector_store %arg9[%swap3A_455], %gather3A_374 {strides = array<i32>} : memref<16384xf32, #tpu.memory_space<vmem>>, vector<16xf32>,
      %add3A_457 = arith.constant 3072 : i32
      %add3A_458 = arith.addi %add3A_179, %add3A_457 : i32
      %add3A_459 = arith.constant 128 : i32
      %add3A_460 = arith.addi %add3A_458, %add3A_459 : i32
      %swap3A_461 = arith.index_cast %add3A_460 : i32 to index
      %swap3A_462 = tpu.vector_load %arg9[%swap3A_461] {strides = array<i32>} : memref<16384xf32, #tpu.memory_space<vmem>>, vector<16xf32>,
      tpu.vector_store %arg9[%swap3A_461], %gather3A_378 {strides = array<i32>} : memref<16384xf32, #tpu.memory_space<vmem>>, vector<16xf32>,
      %add3A_463 = arith.constant 3072 : i32
      %add3A_464 = arith.addi %add3A_179, %add3A_463 : i32
      %add3A_465 = arith.constant 256 : i32
      %add3A_466 = arith.addi %add3A_464, %add3A_465 : i32
      %swap3A_467 = arith.index_cast %add3A_466 : i32 to index
      %swap3A_468 = tpu.vector_load %arg9[%swap3A_467] {strides = array<i32>} : memref<16384xf32, #tpu.memory_space<vmem>>, vector<16xf32>,
      tpu.vector_store %arg9[%swap3A_467], %gather3A_382 {strides = array<i32>} : memref<16384xf32, #tpu.memory_space<vmem>>, vector<16xf32>,
      %add3A_469 = arith.constant 3072 : i32
      %add3A_470 = arith.addi %add3A_179, %add3A_469 : i32
      %add3A_471 = arith.constant 384 : i32
      %add3A_472 = arith.addi %add3A_470, %add3A_471 : i32
      %swap3A_473 = arith.index_cast %add3A_472 : i32 to index
      %swap3A_474 = tpu.vector_load %arg9[%swap3A_473] {strides = array<i32>} : memref<16384xf32, #tpu.memory_space<vmem>>, vector<16xf32>,
      tpu.vector_store %arg9[%swap3A_473], %gather3A_386 {strides = array<i32>} : memref<16384xf32, #tpu.memory_space<vmem>>, vector<16xf32>,
      %add3A_475 = arith.constant 3072 : i32
      %add3A_476 = arith.addi %add3A_179, %add3A_475 : i32
      %add3A_477 = arith.constant 512 : i32
      %add3A_478 = arith.addi %add3A_476, %add3A_477 : i32
      %swap3A_479 = arith.index_cast %add3A_478 : i32 to index
      %swap3A_480 = tpu.vector_load %arg9[%swap3A_479] {strides = array<i32>} : memref<16384xf32, #tpu.memory_space<vmem>>, vector<16xf32>,
      tpu.vector_store %arg9[%swap3A_479], %gather3A_390 {strides = array<i32>} : memref<16384xf32, #tpu.memory_space<vmem>>, vector<16xf32>,
      %add3A_481 = arith.constant 3072 : i32
      %add3A_482 = arith.addi %add3A_179, %add3A_481 : i32
      %add3A_483 = arith.constant 640 : i32
      %add3A_484 = arith.addi %add3A_482, %add3A_483 : i32
      %swap3A_485 = arith.index_cast %add3A_484 : i32 to index
      %swap3A_486 = tpu.vector_load %arg9[%swap3A_485] {strides = array<i32>} : memref<16384xf32, #tpu.memory_space<vmem>>, vector<16xf32>,
      tpu.vector_store %arg9[%swap3A_485], %gather3A_394 {strides = array<i32>} : memref<16384xf32, #tpu.memory_space<vmem>>, vector<16xf32>,
      %add3A_487 = arith.constant 3072 : i32
      %add3A_488 = arith.addi %add3A_179, %add3A_487 : i32
      %add3A_489 = arith.constant 768 : i32
      %add3A_490 = arith.addi %add3A_488, %add3A_489 : i32
      %swap3A_491 = arith.index_cast %add3A_490 : i32 to index
      %swap3A_492 = tpu.vector_load %arg9[%swap3A_491] {strides = array<i32>} : memref<16384xf32, #tpu.memory_space<vmem>>, vector<16xf32>,
      tpu.vector_store %arg9[%swap3A_491], %gather3A_398 {strides = array<i32>} : memref<16384xf32, #tpu.memory_space<vmem>>, vector<16xf32>,
      %add3A_493 = arith.constant 3072 : i32
      %add3A_494 = arith.addi %add3A_179, %add3A_493 : i32
      %add3A_495 = arith.constant 896 : i32
      %add3A_496 = arith.addi %add3A_494, %add3A_495 : i32
      %swap3A_497 = arith.index_cast %add3A_496 : i32 to index
      %swap3A_498 = tpu.vector_load %arg9[%swap3A_497] {strides = array<i32>} : memref<16384xf32, #tpu.memory_space<vmem>>, vector<16xf32>,
      tpu.vector_store %arg9[%swap3A_497], %gather3A_402 {strides = array<i32>} : memref<16384xf32, #tpu.memory_space<vmem>>, vector<16xf32>,
      %add3A_499 = arith.constant 32 : i32
      %add3A_500 = vector.broadcast %add3A_499 : i32 to vector<16xi32>
      %add3A_501 = arith.addi %mul3A_176, %add3A_500 : vector<16xi32>
      %gather3A_502 = tpu.vector_load_idx %arg7[%add3A_501] : memref<51350xf32, #tpu.memory_space<vmem>>[vector<16xi32>], vector<16xf32>,
      %add3A_503 = arith.constant 33 : i32
      %add3A_504 = vector.broadcast %add3A_503 : i32 to vector<16xi32>
      %add3A_505 = arith.addi %mul3A_176, %add3A_504 : vector<16xi32>
      %gather3A_506 = tpu.vector_load_idx %arg7[%add3A_505] : memref<51350xf32, #tpu.memory_space<vmem>>[vector<16xi32>], vector<16xf32>,
      %add3A_507 = arith.constant 34 : i32
      %add3A_508 = vector.broadcast %add3A_507 : i32 to vector<16xi32>
      %add3A_509 = arith.addi %mul3A_176, %add3A_508 : vector<16xi32>
      %gather3A_510 = tpu.vector_load_idx %arg7[%add3A_509] : memref<51350xf32, #tpu.memory_space<vmem>>[vector<16xi32>], vector<16xf32>,
      %add3A_511 = arith.constant 35 : i32
      %add3A_512 = vector.broadcast %add3A_511 : i32 to vector<16xi32>
      %add3A_513 = arith.addi %mul3A_176, %add3A_512 : vector<16xi32>
      %gather3A_514 = tpu.vector_load_idx %arg7[%add3A_513] : memref<51350xf32, #tpu.memory_space<vmem>>[vector<16xi32>], vector<16xf32>,
      %add3A_515 = arith.constant 36 : i32
      %add3A_516 = vector.broadcast %add3A_515 : i32 to vector<16xi32>
      %add3A_517 = arith.addi %mul3A_176, %add3A_516 : vector<16xi32>
      %gather3A_518 = tpu.vector_load_idx %arg7[%add3A_517] : memref<51350xf32, #tpu.memory_space<vmem>>[vector<16xi32>], vector<16xf32>,
      %add3A_519 = arith.constant 37 : i32
      %add3A_520 = vector.broadcast %add3A_519 : i32 to vector<16xi32>
      %add3A_521 = arith.addi %mul3A_176, %add3A_520 : vector<16xi32>
      %gather3A_522 = tpu.vector_load_idx %arg7[%add3A_521] : memref<51350xf32, #tpu.memory_space<vmem>>[vector<16xi32>], vector<16xf32>,
      %add3A_523 = arith.constant 38 : i32
      %add3A_524 = vector.broadcast %add3A_523 : i32 to vector<16xi32>
      %add3A_525 = arith.addi %mul3A_176, %add3A_524 : vector<16xi32>
      %gather3A_526 = tpu.vector_load_idx %arg7[%add3A_525] : memref<51350xf32, #tpu.memory_space<vmem>>[vector<16xi32>], vector<16xf32>,
      %add3A_527 = arith.constant 39 : i32
      %add3A_528 = vector.broadcast %add3A_527 : i32 to vector<16xi32>
      %add3A_529 = arith.addi %mul3A_176, %add3A_528 : vector<16xi32>
      %gather3A_530 = tpu.vector_load_idx %arg7[%add3A_529] : memref<51350xf32, #tpu.memory_space<vmem>>[vector<16xi32>], vector<16xf32>,
      %add3A_531 = arith.constant 40 : i32
      %add3A_532 = vector.broadcast %add3A_531 : i32 to vector<16xi32>
      %add3A_533 = arith.addi %mul3A_176, %add3A_532 : vector<16xi32>
      %gather3A_534 = tpu.vector_load_idx %arg7[%add3A_533] : memref<51350xf32, #tpu.memory_space<vmem>>[vector<16xi32>], vector<16xf32>,
      %add3A_535 = arith.constant 41 : i32
      %add3A_536 = vector.broadcast %add3A_535 : i32 to vector<16xi32>
      %add3A_537 = arith.addi %mul3A_176, %add3A_536 : vector<16xi32>
      %gather3A_538 = tpu.vector_load_idx %arg7[%add3A_537] : memref<51350xf32, #tpu.memory_space<vmem>>[vector<16xi32>], vector<16xf32>,
      %add3A_539 = arith.constant 42 : i32
      %add3A_540 = vector.broadcast %add3A_539 : i32 to vector<16xi32>
      %add3A_541 = arith.addi %mul3A_176, %add3A_540 : vector<16xi32>
      %gather3A_542 = tpu.vector_load_idx %arg7[%add3A_541] : memref<51350xf32, #tpu.memory_space<vmem>>[vector<16xi32>], vector<16xf32>,
      %add3A_543 = arith.constant 43 : i32
      %add3A_544 = vector.broadcast %add3A_543 : i32 to vector<16xi32>
      %add3A_545 = arith.addi %mul3A_176, %add3A_544 : vector<16xi32>
      %gather3A_546 = tpu.vector_load_idx %arg7[%add3A_545] : memref<51350xf32, #tpu.memory_space<vmem>>[vector<16xi32>], vector<16xf32>,
      %add3A_547 = arith.constant 44 : i32
      %add3A_548 = vector.broadcast %add3A_547 : i32 to vector<16xi32>
      %add3A_549 = arith.addi %mul3A_176, %add3A_548 : vector<16xi32>
      %gather3A_550 = tpu.vector_load_idx %arg7[%add3A_549] : memref<51350xf32, #tpu.memory_space<vmem>>[vector<16xi32>], vector<16xf32>,
      %add3A_551 = arith.constant 45 : i32
      %add3A_552 = vector.broadcast %add3A_551 : i32 to vector<16xi32>
      %add3A_553 = arith.addi %mul3A_176, %add3A_552 : vector<16xi32>
      %gather3A_554 = tpu.vector_load_idx %arg7[%add3A_553] : memref<51350xf32, #tpu.memory_space<vmem>>[vector<16xi32>], vector<16xf32>,
      %add3A_555 = arith.constant 46 : i32
      %add3A_556 = vector.broadcast %add3A_555 : i32 to vector<16xi32>
      %add3A_557 = arith.addi %mul3A_176, %add3A_556 : vector<16xi32>
      %gather3A_558 = tpu.vector_load_idx %arg7[%add3A_557] : memref<51350xf32, #tpu.memory_space<vmem>>[vector<16xi32>], vector<16xf32>,
      %add3A_559 = arith.constant 47 : i32
      %add3A_560 = vector.broadcast %add3A_559 : i32 to vector<16xi32>
      %add3A_561 = arith.addi %mul3A_176, %add3A_560 : vector<16xi32>
      %gather3A_562 = tpu.vector_load_idx %arg7[%add3A_561] : memref<51350xf32, #tpu.memory_space<vmem>>[vector<16xi32>], vector<16xf32>,
      %add3A_563 = arith.constant 4096 : i32
      %add3A_564 = arith.addi %add3A_179, %add3A_563 : i32
      %add3A_565 = arith.constant 0 : i32
      %add3A_566 = arith.addi %add3A_564, %add3A_565 : i32
      %swap3A_567 = arith.index_cast %add3A_566 : i32 to index
      %swap3A_568 = tpu.vector_load %arg9[%swap3A_567] {strides = array<i32>} : memref<16384xf32, #tpu.memory_space<vmem>>, vector<16xf32>,
      tpu.vector_store %arg9[%swap3A_567], %gather3A_502 {strides = array<i32>} : memref<16384xf32, #tpu.memory_space<vmem>>, vector<16xf32>,
      %add3A_569 = arith.constant 4096 : i32
      %add3A_570 = arith.addi %add3A_179, %add3A_569 : i32
      %add3A_571 = arith.constant 128 : i32
      %add3A_572 = arith.addi %add3A_570, %add3A_571 : i32
      %swap3A_573 = arith.index_cast %add3A_572 : i32 to index
      %swap3A_574 = tpu.vector_load %arg9[%swap3A_573] {strides = array<i32>} : memref<16384xf32, #tpu.memory_space<vmem>>, vector<16xf32>,
      tpu.vector_store %arg9[%swap3A_573], %gather3A_506 {strides = array<i32>} : memref<16384xf32, #tpu.memory_space<vmem>>, vector<16xf32>,
      %add3A_575 = arith.constant 4096 : i32
      %add3A_576 = arith.addi %add3A_179, %add3A_575 : i32
      %add3A_577 = arith.constant 256 : i32
      %add3A_578 = arith.addi %add3A_576, %add3A_577 : i32
      %swap3A_579 = arith.index_cast %add3A_578 : i32 to index
      %swap3A_580 = tpu.vector_load %arg9[%swap3A_579] {strides = array<i32>} : memref<16384xf32, #tpu.memory_space<vmem>>, vector<16xf32>,
      tpu.vector_store %arg9[%swap3A_579], %gather3A_510 {strides = array<i32>} : memref<16384xf32, #tpu.memory_space<vmem>>, vector<16xf32>,
      %add3A_581 = arith.constant 4096 : i32
      %add3A_582 = arith.addi %add3A_179, %add3A_581 : i32
      %add3A_583 = arith.constant 384 : i32
      %add3A_584 = arith.addi %add3A_582, %add3A_583 : i32
      %swap3A_585 = arith.index_cast %add3A_584 : i32 to index
      %swap3A_586 = tpu.vector_load %arg9[%swap3A_585] {strides = array<i32>} : memref<16384xf32, #tpu.memory_space<vmem>>, vector<16xf32>,
      tpu.vector_store %arg9[%swap3A_585], %gather3A_514 {strides = array<i32>} : memref<16384xf32, #tpu.memory_space<vmem>>, vector<16xf32>,
      %add3A_587 = arith.constant 4096 : i32
      %add3A_588 = arith.addi %add3A_179, %add3A_587 : i32
      %add3A_589 = arith.constant 512 : i32
      %add3A_590 = arith.addi %add3A_588, %add3A_589 : i32
      %swap3A_591 = arith.index_cast %add3A_590 : i32 to index
      %swap3A_592 = tpu.vector_load %arg9[%swap3A_591] {strides = array<i32>} : memref<16384xf32, #tpu.memory_space<vmem>>, vector<16xf32>,
      tpu.vector_store %arg9[%swap3A_591], %gather3A_518 {strides = array<i32>} : memref<16384xf32, #tpu.memory_space<vmem>>, vector<16xf32>,
      %add3A_593 = arith.constant 4096 : i32
      %add3A_594 = arith.addi %add3A_179, %add3A_593 : i32
      %add3A_595 = arith.constant 640 : i32
      %add3A_596 = arith.addi %add3A_594, %add3A_595 : i32
      %swap3A_597 = arith.index_cast %add3A_596 : i32 to index
      %swap3A_598 = tpu.vector_load %arg9[%swap3A_597] {strides = array<i32>} : memref<16384xf32, #tpu.memory_space<vmem>>, vector<16xf32>,
      tpu.vector_store %arg9[%swap3A_597], %gather3A_522 {strides = array<i32>} : memref<16384xf32, #tpu.memory_space<vmem>>, vector<16xf32>,
      %add3A_599 = arith.constant 4096 : i32
      %add3A_600 = arith.addi %add3A_179, %add3A_599 : i32
      %add3A_601 = arith.constant 768 : i32
      %add3A_602 = arith.addi %add3A_600, %add3A_601 : i32
      %swap3A_603 = arith.index_cast %add3A_602 : i32 to index
      %swap3A_604 = tpu.vector_load %arg9[%swap3A_603] {strides = array<i32>} : memref<16384xf32, #tpu.memory_space<vmem>>, vector<16xf32>,
      tpu.vector_store %arg9[%swap3A_603], %gather3A_526 {strides = array<i32>} : memref<16384xf32, #tpu.memory_space<vmem>>, vector<16xf32>,
      %add3A_605 = arith.constant 4096 : i32
      %add3A_606 = arith.addi %add3A_179, %add3A_605 : i32
      %add3A_607 = arith.constant 896 : i32
      %add3A_608 = arith.addi %add3A_606, %add3A_607 : i32
      %swap3A_609 = arith.index_cast %add3A_608 : i32 to index
      %swap3A_610 = tpu.vector_load %arg9[%swap3A_609] {strides = array<i32>} : memref<16384xf32, #tpu.memory_space<vmem>>, vector<16xf32>,
      tpu.vector_store %arg9[%swap3A_609], %gather3A_530 {strides = array<i32>} : memref<16384xf32, #tpu.memory_space<vmem>>, vector<16xf32>,
      %add3A_611 = arith.constant 5120 : i32
      %add3A_612 = arith.addi %add3A_179, %add3A_611 : i32
      %add3A_613 = arith.constant 0 : i32
      %add3A_614 = arith.addi %add3A_612, %add3A_613 : i32
      %swap3A_615 = arith.index_cast %add3A_614 : i32 to index
      %swap3A_616 = tpu.vector_load %arg9[%swap3A_615] {strides = array<i32>} : memref<16384xf32, #tpu.memory_space<vmem>>, vector<16xf32>,
      tpu.vector_store %arg9[%swap3A_615], %gather3A_534 {strides = array<i32>} : memref<16384xf32, #tpu.memory_space<vmem>>, vector<16xf32>,
      %add3A_617 = arith.constant 5120 : i32
      %add3A_618 = arith.addi %add3A_179, %add3A_617 : i32
      %add3A_619 = arith.constant 128 : i32
      %add3A_620 = arith.addi %add3A_618, %add3A_619 : i32
      %swap3A_621 = arith.index_cast %add3A_620 : i32 to index
      %swap3A_622 = tpu.vector_load %arg9[%swap3A_621] {strides = array<i32>} : memref<16384xf32, #tpu.memory_space<vmem>>, vector<16xf32>,
      tpu.vector_store %arg9[%swap3A_621], %gather3A_538 {strides = array<i32>} : memref<16384xf32, #tpu.memory_space<vmem>>, vector<16xf32>,
      %add3A_623 = arith.constant 5120 : i32
      %add3A_624 = arith.addi %add3A_179, %add3A_623 : i32
      %add3A_625 = arith.constant 256 : i32
      %add3A_626 = arith.addi %add3A_624, %add3A_625 : i32
      %swap3A_627 = arith.index_cast %add3A_626 : i32 to index
      %swap3A_628 = tpu.vector_load %arg9[%swap3A_627] {strides = array<i32>} : memref<16384xf32, #tpu.memory_space<vmem>>, vector<16xf32>,
      tpu.vector_store %arg9[%swap3A_627], %gather3A_542 {strides = array<i32>} : memref<16384xf32, #tpu.memory_space<vmem>>, vector<16xf32>,
      %add3A_629 = arith.constant 5120 : i32
      %add3A_630 = arith.addi %add3A_179, %add3A_629 : i32
      %add3A_631 = arith.constant 384 : i32
      %add3A_632 = arith.addi %add3A_630, %add3A_631 : i32
      %swap3A_633 = arith.index_cast %add3A_632 : i32 to index
      %swap3A_634 = tpu.vector_load %arg9[%swap3A_633] {strides = array<i32>} : memref<16384xf32, #tpu.memory_space<vmem>>, vector<16xf32>,
      tpu.vector_store %arg9[%swap3A_633], %gather3A_546 {strides = array<i32>} : memref<16384xf32, #tpu.memory_space<vmem>>, vector<16xf32>,
      %add3A_635 = arith.constant 5120 : i32
      %add3A_636 = arith.addi %add3A_179, %add3A_635 : i32
      %add3A_637 = arith.constant 512 : i32
      %add3A_638 = arith.addi %add3A_636, %add3A_637 : i32
      %swap3A_639 = arith.index_cast %add3A_638 : i32 to index
      %swap3A_640 = tpu.vector_load %arg9[%swap3A_639] {strides = array<i32>} : memref<16384xf32, #tpu.memory_space<vmem>>, vector<16xf32>,
      tpu.vector_store %arg9[%swap3A_639], %gather3A_550 {strides = array<i32>} : memref<16384xf32, #tpu.memory_space<vmem>>, vector<16xf32>,
      %add3A_641 = arith.constant 5120 : i32
      %add3A_642 = arith.addi %add3A_179, %add3A_641 : i32
      %add3A_643 = arith.constant 640 : i32
      %add3A_644 = arith.addi %add3A_642, %add3A_643 : i32
      %swap3A_645 = arith.index_cast %add3A_644 : i32 to index
      %swap3A_646 = tpu.vector_load %arg9[%swap3A_645] {strides = array<i32>} : memref<16384xf32, #tpu.memory_space<vmem>>, vector<16xf32>,
      tpu.vector_store %arg9[%swap3A_645], %gather3A_554 {strides = array<i32>} : memref<16384xf32, #tpu.memory_space<vmem>>, vector<16xf32>,
      %add3A_647 = arith.constant 5120 : i32
      %add3A_648 = arith.addi %add3A_179, %add3A_647 : i32
      %add3A_649 = arith.constant 768 : i32
      %add3A_650 = arith.addi %add3A_648, %add3A_649 : i32
      %swap3A_651 = arith.index_cast %add3A_650 : i32 to index
      %swap3A_652 = tpu.vector_load %arg9[%swap3A_651] {strides = array<i32>} : memref<16384xf32, #tpu.memory_space<vmem>>, vector<16xf32>,
      tpu.vector_store %arg9[%swap3A_651], %gather3A_558 {strides = array<i32>} : memref<16384xf32, #tpu.memory_space<vmem>>, vector<16xf32>,
      %add3A_653 = arith.constant 5120 : i32
      %add3A_654 = arith.addi %add3A_179, %add3A_653 : i32
      %add3A_655 = arith.constant 896 : i32
      %add3A_656 = arith.addi %add3A_654, %add3A_655 : i32
      %swap3A_657 = arith.index_cast %add3A_656 : i32 to index
      %swap3A_658 = tpu.vector_load %arg9[%swap3A_657] {strides = array<i32>} : memref<16384xf32, #tpu.memory_space<vmem>>, vector<16xf32>,
      tpu.vector_store %arg9[%swap3A_657], %gather3A_562 {strides = array<i32>} : memref<16384xf32, #tpu.memory_space<vmem>>, vector<16xf32>,
      %add3A_659 = arith.constant 48 : i32
      %add3A_660 = vector.broadcast %add3A_659 : i32 to vector<16xi32>
      %add3A_661 = arith.addi %mul3A_176, %add3A_660 : vector<16xi32>
      %gather3A_662 = tpu.vector_load_idx %arg7[%add3A_661] : memref<51350xf32, #tpu.memory_space<vmem>>[vector<16xi32>], vector<16xf32>,
      %add3A_663 = arith.constant 49 : i32
      %add3A_664 = vector.broadcast %add3A_663 : i32 to vector<16xi32>
      %add3A_665 = arith.addi %mul3A_176, %add3A_664 : vector<16xi32>
      %gather3A_666 = tpu.vector_load_idx %arg7[%add3A_665] : memref<51350xf32, #tpu.memory_space<vmem>>[vector<16xi32>], vector<16xf32>,
      %add3A_667 = arith.constant 50 : i32
      %add3A_668 = vector.broadcast %add3A_667 : i32 to vector<16xi32>
      %add3A_669 = arith.addi %mul3A_176, %add3A_668 : vector<16xi32>
      %gather3A_670 = tpu.vector_load_idx %arg7[%add3A_669] : memref<51350xf32, #tpu.memory_space<vmem>>[vector<16xi32>], vector<16xf32>,
      %add3A_671 = arith.constant 51 : i32
      %add3A_672 = vector.broadcast %add3A_671 : i32 to vector<16xi32>
      %add3A_673 = arith.addi %mul3A_176, %add3A_672 : vector<16xi32>
      %gather3A_674 = tpu.vector_load_idx %arg7[%add3A_673] : memref<51350xf32, #tpu.memory_space<vmem>>[vector<16xi32>], vector<16xf32>,
      %add3A_675 = arith.constant 52 : i32
      %add3A_676 = vector.broadcast %add3A_675 : i32 to vector<16xi32>
      %add3A_677 = arith.addi %mul3A_176, %add3A_676 : vector<16xi32>
      %gather3A_678 = tpu.vector_load_idx %arg7[%add3A_677] : memref<51350xf32, #tpu.memory_space<vmem>>[vector<16xi32>], vector<16xf32>,
      %add3A_679 = arith.constant 53 : i32
      %add3A_680 = vector.broadcast %add3A_679 : i32 to vector<16xi32>
      %add3A_681 = arith.addi %mul3A_176, %add3A_680 : vector<16xi32>
      %gather3A_682 = tpu.vector_load_idx %arg7[%add3A_681] : memref<51350xf32, #tpu.memory_space<vmem>>[vector<16xi32>], vector<16xf32>,
      %add3A_683 = arith.constant 54 : i32
      %add3A_684 = vector.broadcast %add3A_683 : i32 to vector<16xi32>
      %add3A_685 = arith.addi %mul3A_176, %add3A_684 : vector<16xi32>
      %gather3A_686 = tpu.vector_load_idx %arg7[%add3A_685] : memref<51350xf32, #tpu.memory_space<vmem>>[vector<16xi32>], vector<16xf32>,
      %add3A_687 = arith.constant 55 : i32
      %add3A_688 = vector.broadcast %add3A_687 : i32 to vector<16xi32>
      %add3A_689 = arith.addi %mul3A_176, %add3A_688 : vector<16xi32>
      %gather3A_690 = tpu.vector_load_idx %arg7[%add3A_689] : memref<51350xf32, #tpu.memory_space<vmem>>[vector<16xi32>], vector<16xf32>,
      %add3A_691 = arith.constant 56 : i32
      %add3A_692 = vector.broadcast %add3A_691 : i32 to vector<16xi32>
      %add3A_693 = arith.addi %mul3A_176, %add3A_692 : vector<16xi32>
      %gather3A_694 = tpu.vector_load_idx %arg7[%add3A_693] : memref<51350xf32, #tpu.memory_space<vmem>>[vector<16xi32>], vector<16xf32>,
      %add3A_695 = arith.constant 57 : i32
      %add3A_696 = vector.broadcast %add3A_695 : i32 to vector<16xi32>
      %add3A_697 = arith.addi %mul3A_176, %add3A_696 : vector<16xi32>
      %gather3A_698 = tpu.vector_load_idx %arg7[%add3A_697] : memref<51350xf32, #tpu.memory_space<vmem>>[vector<16xi32>], vector<16xf32>,
      %add3A_699 = arith.constant 58 : i32
      %add3A_700 = vector.broadcast %add3A_699 : i32 to vector<16xi32>
      %add3A_701 = arith.addi %mul3A_176, %add3A_700 : vector<16xi32>
      %gather3A_702 = tpu.vector_load_idx %arg7[%add3A_701] : memref<51350xf32, #tpu.memory_space<vmem>>[vector<16xi32>], vector<16xf32>,
      %add3A_703 = arith.constant 59 : i32
      %add3A_704 = vector.broadcast %add3A_703 : i32 to vector<16xi32>
      %add3A_705 = arith.addi %mul3A_176, %add3A_704 : vector<16xi32>
      %gather3A_706 = tpu.vector_load_idx %arg7[%add3A_705] : memref<51350xf32, #tpu.memory_space<vmem>>[vector<16xi32>], vector<16xf32>,
      %add3A_707 = arith.constant 60 : i32
      %add3A_708 = vector.broadcast %add3A_707 : i32 to vector<16xi32>
      %add3A_709 = arith.addi %mul3A_176, %add3A_708 : vector<16xi32>
      %gather3A_710 = tpu.vector_load_idx %arg7[%add3A_709] : memref<51350xf32, #tpu.memory_space<vmem>>[vector<16xi32>], vector<16xf32>,
      %add3A_711 = arith.constant 61 : i32
      %add3A_712 = vector.broadcast %add3A_711 : i32 to vector<16xi32>
      %add3A_713 = arith.addi %mul3A_176, %add3A_712 : vector<16xi32>
      %gather3A_714 = tpu.vector_load_idx %arg7[%add3A_713] : memref<51350xf32, #tpu.memory_space<vmem>>[vector<16xi32>], vector<16xf32>,
      %add3A_715 = arith.constant 62 : i32
      %add3A_716 = vector.broadcast %add3A_715 : i32 to vector<16xi32>
      %add3A_717 = arith.addi %mul3A_176, %add3A_716 : vector<16xi32>
      %gather3A_718 = tpu.vector_load_idx %arg7[%add3A_717] : memref<51350xf32, #tpu.memory_space<vmem>>[vector<16xi32>], vector<16xf32>,
      %add3A_719 = arith.constant 63 : i32
      %add3A_720 = vector.broadcast %add3A_719 : i32 to vector<16xi32>
      %add3A_721 = arith.addi %mul3A_176, %add3A_720 : vector<16xi32>
      %gather3A_722 = tpu.vector_load_idx %arg7[%add3A_721] : memref<51350xf32, #tpu.memory_space<vmem>>[vector<16xi32>], vector<16xf32>,
      %add3A_723 = arith.constant 6144 : i32
      %add3A_724 = arith.addi %add3A_179, %add3A_723 : i32
      %add3A_725 = arith.constant 0 : i32
      %add3A_726 = arith.addi %add3A_724, %add3A_725 : i32
      %swap3A_727 = arith.index_cast %add3A_726 : i32 to index
      %swap3A_728 = tpu.vector_load %arg9[%swap3A_727] {strides = array<i32>} : memref<16384xf32, #tpu.memory_space<vmem>>, vector<16xf32>,
      tpu.vector_store %arg9[%swap3A_727], %gather3A_662 {strides = array<i32>} : memref<16384xf32, #tpu.memory_space<vmem>>, vector<16xf32>,
      %add3A_729 = arith.constant 6144 : i32
      %add3A_730 = arith.addi %add3A_179, %add3A_729 : i32
      %add3A_731 = arith.constant 128 : i32
      %add3A_732 = arith.addi %add3A_730, %add3A_731 : i32
      %swap3A_733 = arith.index_cast %add3A_732 : i32 to index
      %swap3A_734 = tpu.vector_load %arg9[%swap3A_733] {strides = array<i32>} : memref<16384xf32, #tpu.memory_space<vmem>>, vector<16xf32>,
      tpu.vector_store %arg9[%swap3A_733], %gather3A_666 {strides = array<i32>} : memref<16384xf32, #tpu.memory_space<vmem>>, vector<16xf32>,
      %add3A_735 = arith.constant 6144 : i32
      %add3A_736 = arith.addi %add3A_179, %add3A_735 : i32
      %add3A_737 = arith.constant 256 : i32
      %add3A_738 = arith.addi %add3A_736, %add3A_737 : i32
      %swap3A_739 = arith.index_cast %add3A_738 : i32 to index
      %swap3A_740 = tpu.vector_load %arg9[%swap3A_739] {strides = array<i32>} : memref<16384xf32, #tpu.memory_space<vmem>>, vector<16xf32>,
      tpu.vector_store %arg9[%swap3A_739], %gather3A_670 {strides = array<i32>} : memref<16384xf32, #tpu.memory_space<vmem>>, vector<16xf32>,
      %add3A_741 = arith.constant 6144 : i32
      %add3A_742 = arith.addi %add3A_179, %add3A_741 : i32
      %add3A_743 = arith.constant 384 : i32
      %add3A_744 = arith.addi %add3A_742, %add3A_743 : i32
      %swap3A_745 = arith.index_cast %add3A_744 : i32 to index
      %swap3A_746 = tpu.vector_load %arg9[%swap3A_745] {strides = array<i32>} : memref<16384xf32, #tpu.memory_space<vmem>>, vector<16xf32>,
      tpu.vector_store %arg9[%swap3A_745], %gather3A_674 {strides = array<i32>} : memref<16384xf32, #tpu.memory_space<vmem>>, vector<16xf32>,
      %add3A_747 = arith.constant 6144 : i32
      %add3A_748 = arith.addi %add3A_179, %add3A_747 : i32
      %add3A_749 = arith.constant 512 : i32
      %add3A_750 = arith.addi %add3A_748, %add3A_749 : i32
      %swap3A_751 = arith.index_cast %add3A_750 : i32 to index
      %swap3A_752 = tpu.vector_load %arg9[%swap3A_751] {strides = array<i32>} : memref<16384xf32, #tpu.memory_space<vmem>>, vector<16xf32>,
      tpu.vector_store %arg9[%swap3A_751], %gather3A_678 {strides = array<i32>} : memref<16384xf32, #tpu.memory_space<vmem>>, vector<16xf32>,
      %add3A_753 = arith.constant 6144 : i32
      %add3A_754 = arith.addi %add3A_179, %add3A_753 : i32
      %add3A_755 = arith.constant 640 : i32
      %add3A_756 = arith.addi %add3A_754, %add3A_755 : i32
      %swap3A_757 = arith.index_cast %add3A_756 : i32 to index
      %swap3A_758 = tpu.vector_load %arg9[%swap3A_757] {strides = array<i32>} : memref<16384xf32, #tpu.memory_space<vmem>>, vector<16xf32>,
      tpu.vector_store %arg9[%swap3A_757], %gather3A_682 {strides = array<i32>} : memref<16384xf32, #tpu.memory_space<vmem>>, vector<16xf32>,
      %add3A_759 = arith.constant 6144 : i32
      %add3A_760 = arith.addi %add3A_179, %add3A_759 : i32
      %add3A_761 = arith.constant 768 : i32
      %add3A_762 = arith.addi %add3A_760, %add3A_761 : i32
      %swap3A_763 = arith.index_cast %add3A_762 : i32 to index
      %swap3A_764 = tpu.vector_load %arg9[%swap3A_763] {strides = array<i32>} : memref<16384xf32, #tpu.memory_space<vmem>>, vector<16xf32>,
      tpu.vector_store %arg9[%swap3A_763], %gather3A_686 {strides = array<i32>} : memref<16384xf32, #tpu.memory_space<vmem>>, vector<16xf32>,
      %add3A_765 = arith.constant 6144 : i32
      %add3A_766 = arith.addi %add3A_179, %add3A_765 : i32
      %add3A_767 = arith.constant 896 : i32
      %add3A_768 = arith.addi %add3A_766, %add3A_767 : i32
      %swap3A_769 = arith.index_cast %add3A_768 : i32 to index
      %swap3A_770 = tpu.vector_load %arg9[%swap3A_769] {strides = array<i32>} : memref<16384xf32, #tpu.memory_space<vmem>>, vector<16xf32>,
      tpu.vector_store %arg9[%swap3A_769], %gather3A_690 {strides = array<i32>} : memref<16384xf32, #tpu.memory_space<vmem>>, vector<16xf32>,
      %add3A_771 = arith.constant 7168 : i32
      %add3A_772 = arith.addi %add3A_179, %add3A_771 : i32
      %add3A_773 = arith.constant 0 : i32
      %add3A_774 = arith.addi %add3A_772, %add3A_773 : i32
      %swap3A_775 = arith.index_cast %add3A_774 : i32 to index
      %swap3A_776 = tpu.vector_load %arg9[%swap3A_775] {strides = array<i32>} : memref<16384xf32, #tpu.memory_space<vmem>>, vector<16xf32>,
      tpu.vector_store %arg9[%swap3A_775], %gather3A_694 {strides = array<i32>} : memref<16384xf32, #tpu.memory_space<vmem>>, vector<16xf32>,
      %add3A_777 = arith.constant 7168 : i32
      %add3A_778 = arith.addi %add3A_179, %add3A_777 : i32
      %add3A_779 = arith.constant 128 : i32
      %add3A_780 = arith.addi %add3A_778, %add3A_779 : i32
      %swap3A_781 = arith.index_cast %add3A_780 : i32 to index
      %swap3A_782 = tpu.vector_load %arg9[%swap3A_781] {strides = array<i32>} : memref<16384xf32, #tpu.memory_space<vmem>>, vector<16xf32>,
      tpu.vector_store %arg9[%swap3A_781], %gather3A_698 {strides = array<i32>} : memref<16384xf32, #tpu.memory_space<vmem>>, vector<16xf32>,
      %add3A_783 = arith.constant 7168 : i32
      %add3A_784 = arith.addi %add3A_179, %add3A_783 : i32
      %add3A_785 = arith.constant 256 : i32
      %add3A_786 = arith.addi %add3A_784, %add3A_785 : i32
      %swap3A_787 = arith.index_cast %add3A_786 : i32 to index
      %swap3A_788 = tpu.vector_load %arg9[%swap3A_787] {strides = array<i32>} : memref<16384xf32, #tpu.memory_space<vmem>>, vector<16xf32>,
      tpu.vector_store %arg9[%swap3A_787], %gather3A_702 {strides = array<i32>} : memref<16384xf32, #tpu.memory_space<vmem>>, vector<16xf32>,
      %add3A_789 = arith.constant 7168 : i32
      %add3A_790 = arith.addi %add3A_179, %add3A_789 : i32
      %add3A_791 = arith.constant 384 : i32
      %add3A_792 = arith.addi %add3A_790, %add3A_791 : i32
      %swap3A_793 = arith.index_cast %add3A_792 : i32 to index
      %swap3A_794 = tpu.vector_load %arg9[%swap3A_793] {strides = array<i32>} : memref<16384xf32, #tpu.memory_space<vmem>>, vector<16xf32>,
      tpu.vector_store %arg9[%swap3A_793], %gather3A_706 {strides = array<i32>} : memref<16384xf32, #tpu.memory_space<vmem>>, vector<16xf32>,
      %add3A_795 = arith.constant 7168 : i32
      %add3A_796 = arith.addi %add3A_179, %add3A_795 : i32
      %add3A_797 = arith.constant 512 : i32
      %add3A_798 = arith.addi %add3A_796, %add3A_797 : i32
      %swap3A_799 = arith.index_cast %add3A_798 : i32 to index
      %swap3A_800 = tpu.vector_load %arg9[%swap3A_799] {strides = array<i32>} : memref<16384xf32, #tpu.memory_space<vmem>>, vector<16xf32>,
      tpu.vector_store %arg9[%swap3A_799], %gather3A_710 {strides = array<i32>} : memref<16384xf32, #tpu.memory_space<vmem>>, vector<16xf32>,
      %add3A_801 = arith.constant 7168 : i32
      %add3A_802 = arith.addi %add3A_179, %add3A_801 : i32
      %add3A_803 = arith.constant 640 : i32
      %add3A_804 = arith.addi %add3A_802, %add3A_803 : i32
      %swap3A_805 = arith.index_cast %add3A_804 : i32 to index
      %swap3A_806 = tpu.vector_load %arg9[%swap3A_805] {strides = array<i32>} : memref<16384xf32, #tpu.memory_space<vmem>>, vector<16xf32>,
      tpu.vector_store %arg9[%swap3A_805], %gather3A_714 {strides = array<i32>} : memref<16384xf32, #tpu.memory_space<vmem>>, vector<16xf32>,
      %add3A_807 = arith.constant 7168 : i32
      %add3A_808 = arith.addi %add3A_179, %add3A_807 : i32
      %add3A_809 = arith.constant 768 : i32
      %add3A_810 = arith.addi %add3A_808, %add3A_809 : i32
      %swap3A_811 = arith.index_cast %add3A_810 : i32 to index
      %swap3A_812 = tpu.vector_load %arg9[%swap3A_811] {strides = array<i32>} : memref<16384xf32, #tpu.memory_space<vmem>>, vector<16xf32>,
      tpu.vector_store %arg9[%swap3A_811], %gather3A_718 {strides = array<i32>} : memref<16384xf32, #tpu.memory_space<vmem>>, vector<16xf32>,
      %add3A_813 = arith.constant 7168 : i32
      %add3A_814 = arith.addi %add3A_179, %add3A_813 : i32
      %add3A_815 = arith.constant 896 : i32
      %add3A_816 = arith.addi %add3A_814, %add3A_815 : i32
      %swap3A_817 = arith.index_cast %add3A_816 : i32 to index
      %swap3A_818 = tpu.vector_load %arg9[%swap3A_817] {strides = array<i32>} : memref<16384xf32, #tpu.memory_space<vmem>>, vector<16xf32>,
      tpu.vector_store %arg9[%swap3A_817], %gather3A_722 {strides = array<i32>} : memref<16384xf32, #tpu.memory_space<vmem>>, vector<16xf32>,
      %mul3A_819 = arith.constant 262144 : i32
      %mul3A_820 = arith.muli %shift_right_arithmetic3A_141, %mul3A_819 : i32
      %mul3A_821 = arith.constant 1024 : i32
      %mul3A_822 = arith.muli %add3A, %mul3A_821 : i32
      %add3A_823 = arith.addi %mul3A_820, %mul3A_822 : i32
      %eq3A_824 = arith.constant 7 : i32
      %eq3A_825 = arith.cmpi eq, %and3A_142, %eq3A_824 : i32
      %eq3A_826 = arith.constant 0 : i32
      %eq3A_827 = arith.cmpi eq, %and3A_144, %eq3A_826 : i32
      %and3A_828 = arith.andi %eq3A_825, %eq3A_827 : i1
      %convert_element_type3A_829 = arith.extui %and3A_828 : i1 to i32
      %cond3A_830 = arith.constant 0 : i32
      %cond3A_831 = arith.cmpi ne, %convert_element_type3A_829, %cond3A_830 : i32
      scf.if %cond3A_831 {
        %add3A_840 = arith.constant 0 : i32
        %add3A_841 = arith.addi %mul3A_146, %add3A_840 : i32
        %add3A_842 = arith.constant 0 : i32
        %add3A_843 = arith.addi %add3A_823, %add3A_842 : i32
        %dma_start3A = tpu.memref_slice %arg9[%add3A_841] : memref<16384xf32, #tpu.memory_space<vmem>> -> memref<1024xf32, #tpu.memory_space<vmem>>
        %dma_start3A_844 = tpu.memref_slice %arg5[%add3A_843] : memref<74186752xf32, #tpu.memory_space<hbm>> -> memref<1024xf32, #tpu.memory_space<hbm>>
        %dma_start3A_845 = tpu.memref_slice %arg5[%add3A_843] : memref<74186752xf32, #tpu.memory_space<hbm>> -> memref<1024xf32, #tpu.memory_space<hbm>>
        %dma_start3A_846 = tpu.memref_slice %arg9[%add3A_841] : memref<16384xf32, #tpu.memory_space<vmem>> -> memref<1024xf32, #tpu.memory_space<vmem>>
        tpu.enqueue_dma source(%dma_start3A_846 : memref<1024xf32, #tpu.memory_space<vmem>>) target(%dma_start3A_845 : memref<1024xf32, #tpu.memory_space<hbm>>) target_semaphore(%arg10 : memref<!tpu.dma_semaphore, #tpu.memory_space<semaphore_mem>>)
        %add3A_847 = arith.constant 1024 : i32
        %add3A_848 = arith.addi %mul3A_146, %add3A_847 : i32
        %add3A_849 = arith.constant 32768 : i32
        %add3A_850 = arith.addi %add3A_823, %add3A_849 : i32
        %dma_start3A_851 = tpu.memref_slice %arg9[%add3A_848] : memref<16384xf32, #tpu.memory_space<vmem>> -> memref<1024xf32, #tpu.memory_space<vmem>>
        %dma_start3A_852 = tpu.memref_slice %arg5[%add3A_850] : memref<74186752xf32, #tpu.memory_space<hbm>> -> memref<1024xf32, #tpu.memory_space<hbm>>
        %dma_start3A_853 = tpu.memref_slice %arg5[%add3A_850] : memref<74186752xf32, #tpu.memory_space<hbm>> -> memref<1024xf32, #tpu.memory_space<hbm>>
        %dma_start3A_854 = tpu.memref_slice %arg9[%add3A_848] : memref<16384xf32, #tpu.memory_space<vmem>> -> memref<1024xf32, #tpu.memory_space<vmem>>
        tpu.enqueue_dma source(%dma_start3A_854 : memref<1024xf32, #tpu.memory_space<vmem>>) target(%dma_start3A_853 : memref<1024xf32, #tpu.memory_space<hbm>>) target_semaphore(%arg10 : memref<!tpu.dma_semaphore, #tpu.memory_space<semaphore_mem>>)
        %add3A_855 = arith.constant 2048 : i32
        %add3A_856 = arith.addi %mul3A_146, %add3A_855 : i32
        %add3A_857 = arith.constant 65536 : i32
        %add3A_858 = arith.addi %add3A_823, %add3A_857 : i32
        %dma_start3A_859 = tpu.memref_slice %arg9[%add3A_856] : memref<16384xf32, #tpu.memory_space<vmem>> -> memref<1024xf32, #tpu.memory_space<vmem>>
        %dma_start3A_860 = tpu.memref_slice %arg5[%add3A_858] : memref<74186752xf32, #tpu.memory_space<hbm>> -> memref<1024xf32, #tpu.memory_space<hbm>>
        %dma_start3A_861 = tpu.memref_slice %arg5[%add3A_858] : memref<74186752xf32, #tpu.memory_space<hbm>> -> memref<1024xf32, #tpu.memory_space<hbm>>
        %dma_start3A_862 = tpu.memref_slice %arg9[%add3A_856] : memref<16384xf32, #tpu.memory_space<vmem>> -> memref<1024xf32, #tpu.memory_space<vmem>>
        tpu.enqueue_dma source(%dma_start3A_862 : memref<1024xf32, #tpu.memory_space<vmem>>) target(%dma_start3A_861 : memref<1024xf32, #tpu.memory_space<hbm>>) target_semaphore(%arg10 : memref<!tpu.dma_semaphore, #tpu.memory_space<semaphore_mem>>)
        %add3A_863 = arith.constant 3072 : i32
        %add3A_864 = arith.addi %mul3A_146, %add3A_863 : i32
        %add3A_865 = arith.constant 98304 : i32
        %add3A_866 = arith.addi %add3A_823, %add3A_865 : i32
        %dma_start3A_867 = tpu.memref_slice %arg9[%add3A_864] : memref<16384xf32, #tpu.memory_space<vmem>> -> memref<1024xf32, #tpu.memory_space<vmem>>
        %dma_start3A_868 = tpu.memref_slice %arg5[%add3A_866] : memref<74186752xf32, #tpu.memory_space<hbm>> -> memref<1024xf32, #tpu.memory_space<hbm>>
        %dma_start3A_869 = tpu.memref_slice %arg5[%add3A_866] : memref<74186752xf32, #tpu.memory_space<hbm>> -> memref<1024xf32, #tpu.memory_space<hbm>>
        %dma_start3A_870 = tpu.memref_slice %arg9[%add3A_864] : memref<16384xf32, #tpu.memory_space<vmem>> -> memref<1024xf32, #tpu.memory_space<vmem>>
        tpu.enqueue_dma source(%dma_start3A_870 : memref<1024xf32, #tpu.memory_space<vmem>>) target(%dma_start3A_869 : memref<1024xf32, #tpu.memory_space<hbm>>) target_semaphore(%arg10 : memref<!tpu.dma_semaphore, #tpu.memory_space<semaphore_mem>>)
        %add3A_871 = arith.constant 4096 : i32
        %add3A_872 = arith.addi %mul3A_146, %add3A_871 : i32
        %add3A_873 = arith.constant 131072 : i32
        %add3A_874 = arith.addi %add3A_823, %add3A_873 : i32
        %dma_start3A_875 = tpu.memref_slice %arg9[%add3A_872] : memref<16384xf32, #tpu.memory_space<vmem>> -> memref<1024xf32, #tpu.memory_space<vmem>>
        %dma_start3A_876 = tpu.memref_slice %arg5[%add3A_874] : memref<74186752xf32, #tpu.memory_space<hbm>> -> memref<1024xf32, #tpu.memory_space<hbm>>
        %dma_start3A_877 = tpu.memref_slice %arg5[%add3A_874] : memref<74186752xf32, #tpu.memory_space<hbm>> -> memref<1024xf32, #tpu.memory_space<hbm>>
        %dma_start3A_878 = tpu.memref_slice %arg9[%add3A_872] : memref<16384xf32, #tpu.memory_space<vmem>> -> memref<1024xf32, #tpu.memory_space<vmem>>
        tpu.enqueue_dma source(%dma_start3A_878 : memref<1024xf32, #tpu.memory_space<vmem>>) target(%dma_start3A_877 : memref<1024xf32, #tpu.memory_space<hbm>>) target_semaphore(%arg10 : memref<!tpu.dma_semaphore, #tpu.memory_space<semaphore_mem>>)
        %add3A_879 = arith.constant 5120 : i32
        %add3A_880 = arith.addi %mul3A_146, %add3A_879 : i32
        %add3A_881 = arith.constant 163840 : i32
        %add3A_882 = arith.addi %add3A_823, %add3A_881 : i32
        %dma_start3A_883 = tpu.memref_slice %arg9[%add3A_880] : memref<16384xf32, #tpu.memory_space<vmem>> -> memref<1024xf32, #tpu.memory_space<vmem>>
        %dma_start3A_884 = tpu.memref_slice %arg5[%add3A_882] : memref<74186752xf32, #tpu.memory_space<hbm>> -> memref<1024xf32, #tpu.memory_space<hbm>>
        %dma_start3A_885 = tpu.memref_slice %arg5[%add3A_882] : memref<74186752xf32, #tpu.memory_space<hbm>> -> memref<1024xf32, #tpu.memory_space<hbm>>
        %dma_start3A_886 = tpu.memref_slice %arg9[%add3A_880] : memref<16384xf32, #tpu.memory_space<vmem>> -> memref<1024xf32, #tpu.memory_space<vmem>>
        tpu.enqueue_dma source(%dma_start3A_886 : memref<1024xf32, #tpu.memory_space<vmem>>) target(%dma_start3A_885 : memref<1024xf32, #tpu.memory_space<hbm>>) target_semaphore(%arg10 : memref<!tpu.dma_semaphore, #tpu.memory_space<semaphore_mem>>)
        %add3A_887 = arith.constant 6144 : i32
        %add3A_888 = arith.addi %mul3A_146, %add3A_887 : i32
        %add3A_889 = arith.constant 196608 : i32
        %add3A_890 = arith.addi %add3A_823, %add3A_889 : i32
        %dma_start3A_891 = tpu.memref_slice %arg9[%add3A_888] : memref<16384xf32, #tpu.memory_space<vmem>> -> memref<1024xf32, #tpu.memory_space<vmem>>
        %dma_start3A_892 = tpu.memref_slice %arg5[%add3A_890] : memref<74186752xf32, #tpu.memory_space<hbm>> -> memref<1024xf32, #tpu.memory_space<hbm>>
        %dma_start3A_893 = tpu.memref_slice %arg5[%add3A_890] : memref<74186752xf32, #tpu.memory_space<hbm>> -> memref<1024xf32, #tpu.memory_space<hbm>>
        %dma_start3A_894 = tpu.memref_slice %arg9[%add3A_888] : memref<16384xf32, #tpu.memory_space<vmem>> -> memref<1024xf32, #tpu.memory_space<vmem>>
        tpu.enqueue_dma source(%dma_start3A_894 : memref<1024xf32, #tpu.memory_space<vmem>>) target(%dma_start3A_893 : memref<1024xf32, #tpu.memory_space<hbm>>) target_semaphore(%arg10 : memref<!tpu.dma_semaphore, #tpu.memory_space<semaphore_mem>>)
        %add3A_895 = arith.constant 7168 : i32
        %add3A_896 = arith.addi %mul3A_146, %add3A_895 : i32
        %add3A_897 = arith.constant 229376 : i32
        %add3A_898 = arith.addi %add3A_823, %add3A_897 : i32
        %dma_start3A_899 = tpu.memref_slice %arg9[%add3A_896] : memref<16384xf32, #tpu.memory_space<vmem>> -> memref<1024xf32, #tpu.memory_space<vmem>>
        %dma_start3A_900 = tpu.memref_slice %arg5[%add3A_898] : memref<74186752xf32, #tpu.memory_space<hbm>> -> memref<1024xf32, #tpu.memory_space<hbm>>
        %dma_start3A_901 = tpu.memref_slice %arg5[%add3A_898] : memref<74186752xf32, #tpu.memory_space<hbm>> -> memref<1024xf32, #tpu.memory_space<hbm>>
        %dma_start3A_902 = tpu.memref_slice %arg9[%add3A_896] : memref<16384xf32, #tpu.memory_space<vmem>> -> memref<1024xf32, #tpu.memory_space<vmem>>
        tpu.enqueue_dma source(%dma_start3A_902 : memref<1024xf32, #tpu.memory_space<vmem>>) target(%dma_start3A_901 : memref<1024xf32, #tpu.memory_space<hbm>>) target_semaphore(%arg10 : memref<!tpu.dma_semaphore, #tpu.memory_space<semaphore_mem>>)
      } else {
      }
      %eq3A_832 = arith.constant 7 : i32
      %eq3A_833 = arith.cmpi eq, %and3A_142, %eq3A_832 : i32
      %eq3A_834 = arith.constant 1 : i32
      %eq3A_835 = arith.cmpi eq, %and3A_144, %eq3A_834 : i32
      %and3A_836 = arith.andi %eq3A_833, %eq3A_835 : i1
      %convert_element_type3A_837 = arith.extui %and3A_836 : i1 to i32
      %cond3A_838 = arith.constant 0 : i32
      %cond3A_839 = arith.cmpi ne, %convert_element_type3A_837, %cond3A_838 : i32
      scf.if %cond3A_839 {
        %add3A_840 = arith.constant 0 : i32
        %add3A_841 = arith.addi %mul3A_146, %add3A_840 : i32
        %add3A_842 = arith.constant 0 : i32
        %add3A_843 = arith.addi %add3A_823, %add3A_842 : i32
        %dma_start3A = tpu.memref_slice %arg9[%add3A_841] : memref<16384xf32, #tpu.memory_space<vmem>> -> memref<1024xf32, #tpu.memory_space<vmem>>
        %dma_start3A_844 = tpu.memref_slice %arg5[%add3A_843] : memref<74186752xf32, #tpu.memory_space<hbm>> -> memref<1024xf32, #tpu.memory_space<hbm>>
        %dma_start3A_845 = tpu.memref_slice %arg5[%add3A_843] : memref<74186752xf32, #tpu.memory_space<hbm>> -> memref<1024xf32, #tpu.memory_space<hbm>>
        %dma_start3A_846 = tpu.memref_slice %arg9[%add3A_841] : memref<16384xf32, #tpu.memory_space<vmem>> -> memref<1024xf32, #tpu.memory_space<vmem>>
        tpu.enqueue_dma source(%dma_start3A_846 : memref<1024xf32, #tpu.memory_space<vmem>>) target(%dma_start3A_845 : memref<1024xf32, #tpu.memory_space<hbm>>) target_semaphore(%arg11 : memref<!tpu.dma_semaphore, #tpu.memory_space<semaphore_mem>>)
        %add3A_847 = arith.constant 1024 : i32
        %add3A_848 = arith.addi %mul3A_146, %add3A_847 : i32
        %add3A_849 = arith.constant 32768 : i32
        %add3A_850 = arith.addi %add3A_823, %add3A_849 : i32
        %dma_start3A_851 = tpu.memref_slice %arg9[%add3A_848] : memref<16384xf32, #tpu.memory_space<vmem>> -> memref<1024xf32, #tpu.memory_space<vmem>>
        %dma_start3A_852 = tpu.memref_slice %arg5[%add3A_850] : memref<74186752xf32, #tpu.memory_space<hbm>> -> memref<1024xf32, #tpu.memory_space<hbm>>
        %dma_start3A_853 = tpu.memref_slice %arg5[%add3A_850] : memref<74186752xf32, #tpu.memory_space<hbm>> -> memref<1024xf32, #tpu.memory_space<hbm>>
        %dma_start3A_854 = tpu.memref_slice %arg9[%add3A_848] : memref<16384xf32, #tpu.memory_space<vmem>> -> memref<1024xf32, #tpu.memory_space<vmem>>
        tpu.enqueue_dma source(%dma_start3A_854 : memref<1024xf32, #tpu.memory_space<vmem>>) target(%dma_start3A_853 : memref<1024xf32, #tpu.memory_space<hbm>>) target_semaphore(%arg11 : memref<!tpu.dma_semaphore, #tpu.memory_space<semaphore_mem>>)
        %add3A_855 = arith.constant 2048 : i32
        %add3A_856 = arith.addi %mul3A_146, %add3A_855 : i32
        %add3A_857 = arith.constant 65536 : i32
        %add3A_858 = arith.addi %add3A_823, %add3A_857 : i32
        %dma_start3A_859 = tpu.memref_slice %arg9[%add3A_856] : memref<16384xf32, #tpu.memory_space<vmem>> -> memref<1024xf32, #tpu.memory_space<vmem>>
        %dma_start3A_860 = tpu.memref_slice %arg5[%add3A_858] : memref<74186752xf32, #tpu.memory_space<hbm>> -> memref<1024xf32, #tpu.memory_space<hbm>>
        %dma_start3A_861 = tpu.memref_slice %arg5[%add3A_858] : memref<74186752xf32, #tpu.memory_space<hbm>> -> memref<1024xf32, #tpu.memory_space<hbm>>
        %dma_start3A_862 = tpu.memref_slice %arg9[%add3A_856] : memref<16384xf32, #tpu.memory_space<vmem>> -> memref<1024xf32, #tpu.memory_space<vmem>>
        tpu.enqueue_dma source(%dma_start3A_862 : memref<1024xf32, #tpu.memory_space<vmem>>) target(%dma_start3A_861 : memref<1024xf32, #tpu.memory_space<hbm>>) target_semaphore(%arg11 : memref<!tpu.dma_semaphore, #tpu.memory_space<semaphore_mem>>)
        %add3A_863 = arith.constant 3072 : i32
        %add3A_864 = arith.addi %mul3A_146, %add3A_863 : i32
        %add3A_865 = arith.constant 98304 : i32
        %add3A_866 = arith.addi %add3A_823, %add3A_865 : i32
        %dma_start3A_867 = tpu.memref_slice %arg9[%add3A_864] : memref<16384xf32, #tpu.memory_space<vmem>> -> memref<1024xf32, #tpu.memory_space<vmem>>
        %dma_start3A_868 = tpu.memref_slice %arg5[%add3A_866] : memref<74186752xf32, #tpu.memory_space<hbm>> -> memref<1024xf32, #tpu.memory_space<hbm>>
        %dma_start3A_869 = tpu.memref_slice %arg5[%add3A_866] : memref<74186752xf32, #tpu.memory_space<hbm>> -> memref<1024xf32, #tpu.memory_space<hbm>>
        %dma_start3A_870 = tpu.memref_slice %arg9[%add3A_864] : memref<16384xf32, #tpu.memory_space<vmem>> -> memref<1024xf32, #tpu.memory_space<vmem>>
        tpu.enqueue_dma source(%dma_start3A_870 : memref<1024xf32, #tpu.memory_space<vmem>>) target(%dma_start3A_869 : memref<1024xf32, #tpu.memory_space<hbm>>) target_semaphore(%arg11 : memref<!tpu.dma_semaphore, #tpu.memory_space<semaphore_mem>>)
        %add3A_871 = arith.constant 4096 : i32
        %add3A_872 = arith.addi %mul3A_146, %add3A_871 : i32
        %add3A_873 = arith.constant 131072 : i32
        %add3A_874 = arith.addi %add3A_823, %add3A_873 : i32
        %dma_start3A_875 = tpu.memref_slice %arg9[%add3A_872] : memref<16384xf32, #tpu.memory_space<vmem>> -> memref<1024xf32, #tpu.memory_space<vmem>>
        %dma_start3A_876 = tpu.memref_slice %arg5[%add3A_874] : memref<74186752xf32, #tpu.memory_space<hbm>> -> memref<1024xf32, #tpu.memory_space<hbm>>
        %dma_start3A_877 = tpu.memref_slice %arg5[%add3A_874] : memref<74186752xf32, #tpu.memory_space<hbm>> -> memref<1024xf32, #tpu.memory_space<hbm>>
        %dma_start3A_878 = tpu.memref_slice %arg9[%add3A_872] : memref<16384xf32, #tpu.memory_space<vmem>> -> memref<1024xf32, #tpu.memory_space<vmem>>
        tpu.enqueue_dma source(%dma_start3A_878 : memref<1024xf32, #tpu.memory_space<vmem>>) target(%dma_start3A_877 : memref<1024xf32, #tpu.memory_space<hbm>>) target_semaphore(%arg11 : memref<!tpu.dma_semaphore, #tpu.memory_space<semaphore_mem>>)
        %add3A_879 = arith.constant 5120 : i32
        %add3A_880 = arith.addi %mul3A_146, %add3A_879 : i32
        %add3A_881 = arith.constant 163840 : i32
        %add3A_882 = arith.addi %add3A_823, %add3A_881 : i32
        %dma_start3A_883 = tpu.memref_slice %arg9[%add3A_880] : memref<16384xf32, #tpu.memory_space<vmem>> -> memref<1024xf32, #tpu.memory_space<vmem>>
        %dma_start3A_884 = tpu.memref_slice %arg5[%add3A_882] : memref<74186752xf32, #tpu.memory_space<hbm>> -> memref<1024xf32, #tpu.memory_space<hbm>>
        %dma_start3A_885 = tpu.memref_slice %arg5[%add3A_882] : memref<74186752xf32, #tpu.memory_space<hbm>> -> memref<1024xf32, #tpu.memory_space<hbm>>
        %dma_start3A_886 = tpu.memref_slice %arg9[%add3A_880] : memref<16384xf32, #tpu.memory_space<vmem>> -> memref<1024xf32, #tpu.memory_space<vmem>>
        tpu.enqueue_dma source(%dma_start3A_886 : memref<1024xf32, #tpu.memory_space<vmem>>) target(%dma_start3A_885 : memref<1024xf32, #tpu.memory_space<hbm>>) target_semaphore(%arg11 : memref<!tpu.dma_semaphore, #tpu.memory_space<semaphore_mem>>)
        %add3A_887 = arith.constant 6144 : i32
        %add3A_888 = arith.addi %mul3A_146, %add3A_887 : i32
        %add3A_889 = arith.constant 196608 : i32
        %add3A_890 = arith.addi %add3A_823, %add3A_889 : i32
        %dma_start3A_891 = tpu.memref_slice %arg9[%add3A_888] : memref<16384xf32, #tpu.memory_space<vmem>> -> memref<1024xf32, #tpu.memory_space<vmem>>
        %dma_start3A_892 = tpu.memref_slice %arg5[%add3A_890] : memref<74186752xf32, #tpu.memory_space<hbm>> -> memref<1024xf32, #tpu.memory_space<hbm>>
        %dma_start3A_893 = tpu.memref_slice %arg5[%add3A_890] : memref<74186752xf32, #tpu.memory_space<hbm>> -> memref<1024xf32, #tpu.memory_space<hbm>>
        %dma_start3A_894 = tpu.memref_slice %arg9[%add3A_888] : memref<16384xf32, #tpu.memory_space<vmem>> -> memref<1024xf32, #tpu.memory_space<vmem>>
        tpu.enqueue_dma source(%dma_start3A_894 : memref<1024xf32, #tpu.memory_space<vmem>>) target(%dma_start3A_893 : memref<1024xf32, #tpu.memory_space<hbm>>) target_semaphore(%arg11 : memref<!tpu.dma_semaphore, #tpu.memory_space<semaphore_mem>>)
        %add3A_895 = arith.constant 7168 : i32
        %add3A_896 = arith.addi %mul3A_146, %add3A_895 : i32
        %add3A_897 = arith.constant 229376 : i32
        %add3A_898 = arith.addi %add3A_823, %add3A_897 : i32
        %dma_start3A_899 = tpu.memref_slice %arg9[%add3A_896] : memref<16384xf32, #tpu.memory_space<vmem>> -> memref<1024xf32, #tpu.memory_space<vmem>>
        %dma_start3A_900 = tpu.memref_slice %arg5[%add3A_898] : memref<74186752xf32, #tpu.memory_space<hbm>> -> memref<1024xf32, #tpu.memory_space<hbm>>
        %dma_start3A_901 = tpu.memref_slice %arg5[%add3A_898] : memref<74186752xf32, #tpu.memory_space<hbm>> -> memref<1024xf32, #tpu.memory_space<hbm>>
        %dma_start3A_902 = tpu.memref_slice %arg9[%add3A_896] : memref<16384xf32, #tpu.memory_space<vmem>> -> memref<1024xf32, #tpu.memory_space<vmem>>
        tpu.enqueue_dma source(%dma_start3A_902 : memref<1024xf32, #tpu.memory_space<vmem>>) target(%dma_start3A_901 : memref<1024xf32, #tpu.memory_space<hbm>>) target_semaphore(%arg11 : memref<!tpu.dma_semaphore, #tpu.memory_space<semaphore_mem>>)
      } else {
      }
    }
    %scan3A_12 = arith.constant 2264 : i32
    %dma_wait3A = arith.constant 0 : i32
    %dma_wait3A_13 = tpu.memref_slice %arg9[%dma_wait3A] : memref<16384xf32, #tpu.memory_space<vmem>> -> memref<1024xf32, #tpu.memory_space<vmem>>
    %dma_wait3A_14 = arith.constant 0 : i32
    %dma_wait3A_15 = tpu.memref_slice %arg5[%dma_wait3A_14] : memref<74186752xf32, #tpu.memory_space<hbm>> -> memref<1024xf32, #tpu.memory_space<hbm>>
    %dma_wait3A_16 = arith.constant 0 : i32
    %dma_wait3A_17 = tpu.memref_slice %arg5[%dma_wait3A_16] : memref<74186752xf32, #tpu.memory_space<hbm>> -> memref<1024xf32, #tpu.memory_space<hbm>>
    %dma_wait3A_18 = arith.constant 0 : i32
    %dma_wait3A_19 = tpu.memref_slice %arg9[%dma_wait3A_18] : memref<16384xf32, #tpu.memory_space<vmem>> -> memref<1024xf32, #tpu.memory_space<vmem>>
    tpu.wait_dma2 semaphore(%arg10 : memref<!tpu.dma_semaphore, #tpu.memory_space<semaphore_mem>>) src(%dma_wait3A_19 : memref<1024xf32, #tpu.memory_space<vmem>>) dst(%dma_wait3A_17 : memref<1024xf32, #tpu.memory_space<hbm>>)
    %dma_wait3A_20 = arith.constant 0 : i32
    %dma_wait3A_21 = tpu.memref_slice %arg9[%dma_wait3A_20] : memref<16384xf32, #tpu.memory_space<vmem>> -> memref<1024xf32, #tpu.memory_space<vmem>>
    %dma_wait3A_22 = arith.constant 0 : i32
    %dma_wait3A_23 = tpu.memref_slice %arg5[%dma_wait3A_22] : memref<74186752xf32, #tpu.memory_space<hbm>> -> memref<1024xf32, #tpu.memory_space<hbm>>
    %dma_wait3A_24 = arith.constant 0 : i32
    %dma_wait3A_25 = tpu.memref_slice %arg5[%dma_wait3A_24] : memref<74186752xf32, #tpu.memory_space<hbm>> -> memref<1024xf32, #tpu.memory_space<hbm>>
    %dma_wait3A_26 = arith.constant 0 : i32
    %dma_wait3A_27 = tpu.memref_slice %arg9[%dma_wait3A_26] : memref<16384xf32, #tpu.memory_space<vmem>> -> memref<1024xf32, #tpu.memory_space<vmem>>
    tpu.wait_dma2 semaphore(%arg11 : memref<!tpu.dma_semaphore, #tpu.memory_space<semaphore_mem>>) src(%dma_wait3A_27 : memref<1024xf32, #tpu.memory_space<vmem>>) dst(%dma_wait3A_25 : memref<1024xf32, #tpu.memory_space<hbm>>)
    %dma_wait3A_28 = arith.constant 0 : i32
    %dma_wait3A_29 = tpu.memref_slice %arg9[%dma_wait3A_28] : memref<16384xf32, #tpu.memory_space<vmem>> -> memref<1024xf32, #tpu.memory_space<vmem>>
    %dma_wait3A_30 = arith.constant 0 : i32
    %dma_wait3A_31 = tpu.memref_slice %arg5[%dma_wait3A_30] : memref<74186752xf32, #tpu.memory_space<hbm>> -> memref<1024xf32, #tpu.memory_space<hbm>>
    %dma_wait3A_32 = arith.constant 0 : i32
    %dma_wait3A_33 = tpu.memref_slice %arg5[%dma_wait3A_32] : memref<74186752xf32, #tpu.memory_space<hbm>> -> memref<1024xf32, #tpu.memory_space<hbm>>
    %dma_wait3A_34 = arith.constant 0 : i32
    %dma_wait3A_35 = tpu.memref_slice %arg9[%dma_wait3A_34] : memref<16384xf32, #tpu.memory_space<vmem>> -> memref<1024xf32, #tpu.memory_space<vmem>>
    tpu.wait_dma2 semaphore(%arg10 : memref<!tpu.dma_semaphore, #tpu.memory_space<semaphore_mem>>) src(%dma_wait3A_35 : memref<1024xf32, #tpu.memory_space<vmem>>) dst(%dma_wait3A_33 : memref<1024xf32, #tpu.memory_space<hbm>>)
    %dma_wait3A_36 = arith.constant 0 : i32
    %dma_wait3A_37 = tpu.memref_slice %arg9[%dma_wait3A_36] : memref<16384xf32, #tpu.memory_space<vmem>> -> memref<1024xf32, #tpu.memory_space<vmem>>
    %dma_wait3A_38 = arith.constant 0 : i32
    %dma_wait3A_39 = tpu.memref_slice %arg5[%dma_wait3A_38] : memref<74186752xf32, #tpu.memory_space<hbm>> -> memref<1024xf32, #tpu.memory_space<hbm>>
    %dma_wait3A_40 = arith.constant 0 : i32
    %dma_wait3A_41 = tpu.memref_slice %arg5[%dma_wait3A_40] : memref<74186752xf32, #tpu.memory_space<hbm>> -> memref<1024xf32, #tpu.memory_space<hbm>>
    %dma_wait3A_42 = arith.constant 0 : i32
    %dma_wait3A_43 = tpu.memref_slice %arg9[%dma_wait3A_42] : memref<16384xf32, #tpu.memory_space<vmem>> -> memref<1024xf32, #tpu.memory_space<vmem>>
    tpu.wait_dma2 semaphore(%arg11 : memref<!tpu.dma_semaphore, #tpu.memory_space<semaphore_mem>>) src(%dma_wait3A_43 : memref<1024xf32, #tpu.memory_space<vmem>>) dst(%dma_wait3A_41 : memref<1024xf32, #tpu.memory_space<hbm>>)
    %dma_wait3A_44 = arith.constant 0 : i32
    %dma_wait3A_45 = tpu.memref_slice %arg9[%dma_wait3A_44] : memref<16384xf32, #tpu.memory_space<vmem>> -> memref<1024xf32, #tpu.memory_space<vmem>>
    %dma_wait3A_46 = arith.constant 0 : i32
    %dma_wait3A_47 = tpu.memref_slice %arg5[%dma_wait3A_46] : memref<74186752xf32, #tpu.memory_space<hbm>> -> memref<1024xf32, #tpu.memory_space<hbm>>
    %dma_wait3A_48 = arith.constant 0 : i32
    %dma_wait3A_49 = tpu.memref_slice %arg5[%dma_wait3A_48] : memref<74186752xf32, #tpu.memory_space<hbm>> -> memref<1024xf32, #tpu.memory_space<hbm>>
    %dma_wait3A_50 = arith.constant 0 : i32
    %dma_wait3A_51 = tpu.memref_slice %arg9[%dma_wait3A_50] : memref<16384xf32, #tpu.memory_space<vmem>> -> memref<1024xf32, #tpu.memory_space<vmem>>
    tpu.wait_dma2 semaphore(%arg10 : memref<!tpu.dma_semaphore, #tpu.memory_space<semaphore_mem>>) src(%dma_wait3A_51 : memref<1024xf32, #tpu.memory_space<vmem>>) dst(%dma_wait3A_49 : memref<1024xf32, #tpu.memory_space<hbm>>)
    %dma_wait3A_52 = arith.constant 0 : i32
    %dma_wait3A_53 = tpu.memref_slice %arg9[%dma_wait3A_52] : memref<16384xf32, #tpu.memory_space<vmem>> -> memref<1024xf32, #tpu.memory_space<vmem>>
    %dma_wait3A_54 = arith.constant 0 : i32
    %dma_wait3A_55 = tpu.memref_slice %arg5[%dma_wait3A_54] : memref<74186752xf32, #tpu.memory_space<hbm>> -> memref<1024xf32, #tpu.memory_space<hbm>>
    %dma_wait3A_56 = arith.constant 0 : i32
    %dma_wait3A_57 = tpu.memref_slice %arg5[%dma_wait3A_56] : memref<74186752xf32, #tpu.memory_space<hbm>> -> memref<1024xf32, #tpu.memory_space<hbm>>
    %dma_wait3A_58 = arith.constant 0 : i32
    %dma_wait3A_59 = tpu.memref_slice %arg9[%dma_wait3A_58] : memref<16384xf32, #tpu.memory_space<vmem>> -> memref<1024xf32, #tpu.memory_space<vmem>>
    tpu.wait_dma2 semaphore(%arg11 : memref<!tpu.dma_semaphore, #tpu.memory_space<semaphore_mem>>) src(%dma_wait3A_59 : memref<1024xf32, #tpu.memory_space<vmem>>) dst(%dma_wait3A_57 : memref<1024xf32, #tpu.memory_space<hbm>>)
    %dma_wait3A_60 = arith.constant 0 : i32
    %dma_wait3A_61 = tpu.memref_slice %arg9[%dma_wait3A_60] : memref<16384xf32, #tpu.memory_space<vmem>> -> memref<1024xf32, #tpu.memory_space<vmem>>
    %dma_wait3A_62 = arith.constant 0 : i32
    %dma_wait3A_63 = tpu.memref_slice %arg5[%dma_wait3A_62] : memref<74186752xf32, #tpu.memory_space<hbm>> -> memref<1024xf32, #tpu.memory_space<hbm>>
    %dma_wait3A_64 = arith.constant 0 : i32
    %dma_wait3A_65 = tpu.memref_slice %arg5[%dma_wait3A_64] : memref<74186752xf32, #tpu.memory_space<hbm>> -> memref<1024xf32, #tpu.memory_space<hbm>>
    %dma_wait3A_66 = arith.constant 0 : i32
    %dma_wait3A_67 = tpu.memref_slice %arg9[%dma_wait3A_66] : memref<16384xf32, #tpu.memory_space<vmem>> -> memref<1024xf32, #tpu.memory_space<vmem>>
    tpu.wait_dma2 semaphore(%arg10 : memref<!tpu.dma_semaphore, #tpu.memory_space<semaphore_mem>>) src(%dma_wait3A_67 : memref<1024xf32, #tpu.memory_space<vmem>>) dst(%dma_wait3A_65 : memref<1024xf32, #tpu.memory_space<hbm>>)
    %dma_wait3A_68 = arith.constant 0 : i32
    %dma_wait3A_69 = tpu.memref_slice %arg9[%dma_wait3A_68] : memref<16384xf32, #tpu.memory_space<vmem>> -> memref<1024xf32, #tpu.memory_space<vmem>>
    %dma_wait3A_70 = arith.constant 0 : i32
    %dma_wait3A_71 = tpu.memref_slice %arg5[%dma_wait3A_70] : memref<74186752xf32, #tpu.memory_space<hbm>> -> memref<1024xf32, #tpu.memory_space<hbm>>
    %dma_wait3A_72 = arith.constant 0 : i32
    %dma_wait3A_73 = tpu.memref_slice %arg5[%dma_wait3A_72] : memref<74186752xf32, #tpu.memory_space<hbm>> -> memref<1024xf32, #tpu.memory_space<hbm>>
    %dma_wait3A_74 = arith.constant 0 : i32
    %dma_wait3A_75 = tpu.memref_slice %arg9[%dma_wait3A_74] : memref<16384xf32, #tpu.memory_space<vmem>> -> memref<1024xf32, #tpu.memory_space<vmem>>
    tpu.wait_dma2 semaphore(%arg11 : memref<!tpu.dma_semaphore, #tpu.memory_space<semaphore_mem>>) src(%dma_wait3A_75 : memref<1024xf32, #tpu.memory_space<vmem>>) dst(%dma_wait3A_73 : memref<1024xf32, #tpu.memory_space<hbm>>)
    %dma_wait3A_76 = arith.constant 0 : i32
    %dma_wait3A_77 = tpu.memref_slice %arg9[%dma_wait3A_76] : memref<16384xf32, #tpu.memory_space<vmem>> -> memref<1024xf32, #tpu.memory_space<vmem>>
    %dma_wait3A_78 = arith.constant 0 : i32
    %dma_wait3A_79 = tpu.memref_slice %arg5[%dma_wait3A_78] : memref<74186752xf32, #tpu.memory_space<hbm>> -> memref<1024xf32, #tpu.memory_space<hbm>>
    %dma_wait3A_80 = arith.constant 0 : i32
    %dma_wait3A_81 = tpu.memref_slice %arg5[%dma_wait3A_80] : memref<74186752xf32, #tpu.memory_space<hbm>> -> memref<1024xf32, #tpu.memory_space<hbm>>
    %dma_wait3A_82 = arith.constant 0 : i32
    %dma_wait3A_83 = tpu.memref_slice %arg9[%dma_wait3A_82] : memref<16384xf32, #tpu.memory_space<vmem>> -> memref<1024xf32, #tpu.memory_space<vmem>>
    tpu.wait_dma2 semaphore(%arg10 : memref<!tpu.dma_semaphore, #tpu.memory_space<semaphore_mem>>) src(%dma_wait3A_83 : memref<1024xf32, #tpu.memory_space<vmem>>) dst(%dma_wait3A_81 : memref<1024xf32, #tpu.memory_space<hbm>>)
    %dma_wait3A_84 = arith.constant 0 : i32
    %dma_wait3A_85 = tpu.memref_slice %arg9[%dma_wait3A_84] : memref<16384xf32, #tpu.memory_space<vmem>> -> memref<1024xf32, #tpu.memory_space<vmem>>
    %dma_wait3A_86 = arith.constant 0 : i32
    %dma_wait3A_87 = tpu.memref_slice %arg5[%dma_wait3A_86] : memref<74186752xf32, #tpu.memory_space<hbm>> -> memref<1024xf32, #tpu.memory_space<hbm>>
    %dma_wait3A_88 = arith.constant 0 : i32
    %dma_wait3A_89 = tpu.memref_slice %arg5[%dma_wait3A_88] : memref<74186752xf32, #tpu.memory_space<hbm>> -> memref<1024xf32, #tpu.memory_space<hbm>>
    %dma_wait3A_90 = arith.constant 0 : i32
    %dma_wait3A_91 = tpu.memref_slice %arg9[%dma_wait3A_90] : memref<16384xf32, #tpu.memory_space<vmem>> -> memref<1024xf32, #tpu.memory_space<vmem>>
    tpu.wait_dma2 semaphore(%arg11 : memref<!tpu.dma_semaphore, #tpu.memory_space<semaphore_mem>>) src(%dma_wait3A_91 : memref<1024xf32, #tpu.memory_space<vmem>>) dst(%dma_wait3A_89 : memref<1024xf32, #tpu.memory_space<hbm>>)
    %dma_wait3A_92 = arith.constant 0 : i32
    %dma_wait3A_93 = tpu.memref_slice %arg9[%dma_wait3A_92] : memref<16384xf32, #tpu.memory_space<vmem>> -> memref<1024xf32, #tpu.memory_space<vmem>>
    %dma_wait3A_94 = arith.constant 0 : i32
    %dma_wait3A_95 = tpu.memref_slice %arg5[%dma_wait3A_94] : memref<74186752xf32, #tpu.memory_space<hbm>> -> memref<1024xf32, #tpu.memory_space<hbm>>
    %dma_wait3A_96 = arith.constant 0 : i32
    %dma_wait3A_97 = tpu.memref_slice %arg5[%dma_wait3A_96] : memref<74186752xf32, #tpu.memory_space<hbm>> -> memref<1024xf32, #tpu.memory_space<hbm>>
    %dma_wait3A_98 = arith.constant 0 : i32
    %dma_wait3A_99 = tpu.memref_slice %arg9[%dma_wait3A_98] : memref<16384xf32, #tpu.memory_space<vmem>> -> memref<1024xf32, #tpu.memory_space<vmem>>
    tpu.wait_dma2 semaphore(%arg10 : memref<!tpu.dma_semaphore, #tpu.memory_space<semaphore_mem>>) src(%dma_wait3A_99 : memref<1024xf32, #tpu.memory_space<vmem>>) dst(%dma_wait3A_97 : memref<1024xf32, #tpu.memory_space<hbm>>)
    %dma_wait3A_100 = arith.constant 0 : i32
    %dma_wait3A_101 = tpu.memref_slice %arg9[%dma_wait3A_100] : memref<16384xf32, #tpu.memory_space<vmem>> -> memref<1024xf32, #tpu.memory_space<vmem>>
    %dma_wait3A_102 = arith.constant 0 : i32
    %dma_wait3A_103 = tpu.memref_slice %arg5[%dma_wait3A_102] : memref<74186752xf32, #tpu.memory_space<hbm>> -> memref<1024xf32, #tpu.memory_space<hbm>>
    %dma_wait3A_104 = arith.constant 0 : i32
    %dma_wait3A_105 = tpu.memref_slice %arg5[%dma_wait3A_104] : memref<74186752xf32, #tpu.memory_space<hbm>> -> memref<1024xf32, #tpu.memory_space<hbm>>
    %dma_wait3A_106 = arith.constant 0 : i32
    %dma_wait3A_107 = tpu.memref_slice %arg9[%dma_wait3A_106] : memref<16384xf32, #tpu.memory_space<vmem>> -> memref<1024xf32, #tpu.memory_space<vmem>>
    tpu.wait_dma2 semaphore(%arg11 : memref<!tpu.dma_semaphore, #tpu.memory_space<semaphore_mem>>) src(%dma_wait3A_107 : memref<1024xf32, #tpu.memory_space<vmem>>) dst(%dma_wait3A_105 : memref<1024xf32, #tpu.memory_space<hbm>>)
    %dma_wait3A_108 = arith.constant 0 : i32
    %dma_wait3A_109 = tpu.memref_slice %arg9[%dma_wait3A_108] : memref<16384xf32, #tpu.memory_space<vmem>> -> memref<1024xf32, #tpu.memory_space<vmem>>
    %dma_wait3A_110 = arith.constant 0 : i32
    %dma_wait3A_111 = tpu.memref_slice %arg5[%dma_wait3A_110] : memref<74186752xf32, #tpu.memory_space<hbm>> -> memref<1024xf32, #tpu.memory_space<hbm>>
    %dma_wait3A_112 = arith.constant 0 : i32
    %dma_wait3A_113 = tpu.memref_slice %arg5[%dma_wait3A_112] : memref<74186752xf32, #tpu.memory_space<hbm>> -> memref<1024xf32, #tpu.memory_space<hbm>>
    %dma_wait3A_114 = arith.constant 0 : i32
    %dma_wait3A_115 = tpu.memref_slice %arg9[%dma_wait3A_114] : memref<16384xf32, #tpu.memory_space<vmem>> -> memref<1024xf32, #tpu.memory_space<vmem>>
    tpu.wait_dma2 semaphore(%arg10 : memref<!tpu.dma_semaphore, #tpu.memory_space<semaphore_mem>>) src(%dma_wait3A_115 : memref<1024xf32, #tpu.memory_space<vmem>>) dst(%dma_wait3A_113 : memref<1024xf32, #tpu.memory_space<hbm>>)
    %dma_wait3A_116 = arith.constant 0 : i32
    %dma_wait3A_117 = tpu.memref_slice %arg9[%dma_wait3A_116] : memref<16384xf32, #tpu.memory_space<vmem>> -> memref<1024xf32, #tpu.memory_space<vmem>>
    %dma_wait3A_118 = arith.constant 0 : i32
    %dma_wait3A_119 = tpu.memref_slice %arg5[%dma_wait3A_118] : memref<74186752xf32, #tpu.memory_space<hbm>> -> memref<1024xf32, #tpu.memory_space<hbm>>
    %dma_wait3A_120 = arith.constant 0 : i32
    %dma_wait3A_121 = tpu.memref_slice %arg5[%dma_wait3A_120] : memref<74186752xf32, #tpu.memory_space<hbm>> -> memref<1024xf32, #tpu.memory_space<hbm>>
    %dma_wait3A_122 = arith.constant 0 : i32
    %dma_wait3A_123 = tpu.memref_slice %arg9[%dma_wait3A_122] : memref<16384xf32, #tpu.memory_space<vmem>> -> memref<1024xf32, #tpu.memory_space<vmem>>
    tpu.wait_dma2 semaphore(%arg11 : memref<!tpu.dma_semaphore, #tpu.memory_space<semaphore_mem>>) src(%dma_wait3A_123 : memref<1024xf32, #tpu.memory_space<vmem>>) dst(%dma_wait3A_121 : memref<1024xf32, #tpu.memory_space<hbm>>)
    %dma_wait3A_124 = arith.constant 0 : i32
    %dma_wait3A_125 = tpu.memref_slice %arg9[%dma_wait3A_124] : memref<16384xf32, #tpu.memory_space<vmem>> -> memref<1024xf32, #tpu.memory_space<vmem>>
    %dma_wait3A_126 = arith.constant 0 : i32
    %dma_wait3A_127 = tpu.memref_slice %arg5[%dma_wait3A_126] : memref<74186752xf32, #tpu.memory_space<hbm>> -> memref<1024xf32, #tpu.memory_space<hbm>>
    %dma_wait3A_128 = arith.constant 0 : i32
    %dma_wait3A_129 = tpu.memref_slice %arg5[%dma_wait3A_128] : memref<74186752xf32, #tpu.memory_space<hbm>> -> memref<1024xf32, #tpu.memory_space<hbm>>
    %dma_wait3A_130 = arith.constant 0 : i32
    %dma_wait3A_131 = tpu.memref_slice %arg9[%dma_wait3A_130] : memref<16384xf32, #tpu.memory_space<vmem>> -> memref<1024xf32, #tpu.memory_space<vmem>>
    tpu.wait_dma2 semaphore(%arg10 : memref<!tpu.dma_semaphore, #tpu.memory_space<semaphore_mem>>) src(%dma_wait3A_131 : memref<1024xf32, #tpu.memory_space<vmem>>) dst(%dma_wait3A_129 : memref<1024xf32, #tpu.memory_space<hbm>>)
    %dma_wait3A_132 = arith.constant 0 : i32
    %dma_wait3A_133 = tpu.memref_slice %arg9[%dma_wait3A_132] : memref<16384xf32, #tpu.memory_space<vmem>> -> memref<1024xf32, #tpu.memory_space<vmem>>
    %dma_wait3A_134 = arith.constant 0 : i32
    %dma_wait3A_135 = tpu.memref_slice %arg5[%dma_wait3A_134] : memref<74186752xf32, #tpu.memory_space<hbm>> -> memref<1024xf32, #tpu.memory_space<hbm>>
    %dma_wait3A_136 = arith.constant 0 : i32
    %dma_wait3A_137 = tpu.memref_slice %arg5[%dma_wait3A_136] : memref<74186752xf32, #tpu.memory_space<hbm>> -> memref<1024xf32, #tpu.memory_space<hbm>>
    %dma_wait3A_138 = arith.constant 0 : i32
    %dma_wait3A_139 = tpu.memref_slice %arg9[%dma_wait3A_138] : memref<16384xf32, #tpu.memory_space<vmem>> -> memref<1024xf32, #tpu.memory_space<vmem>>
    tpu.wait_dma2 semaphore(%arg11 : memref<!tpu.dma_semaphore, #tpu.memory_space<semaphore_mem>>) src(%dma_wait3A_139 : memref<1024xf32, #tpu.memory_space<vmem>>) dst(%dma_wait3A_137 : memref<1024xf32, #tpu.memory_space<hbm>>)
    return
  }
}

</mosaic_0001>

<sc_bundles>
// kernel: _emb_lookup.3.cloned.1.call-start
scs
__scs_entry_jumppad:
0x0: {  	(pc) =	sbr.rel $0x88, $3  }
0x1: {  	(tag) =	ssettag $0x0;
	lr =	simm.s32 $0x1  }
0x2: {  	[smem:$0x3F9D] =	sst lr;
	_ =	strace $0xD0000000  }
0x3: {  	_ = 	snop  }
0x4: {  	_ = 	snop  }
0x5: {  	_ = 	snop  }
0x6: {  	_ = 	snop  }
0x7: {  	_ = 	snop  }
__scs_overlays_trampoline_lowered:
0x8: {  	[smem:$0x3FAC] =	sst s0  }
0x9: {  	[smem:$0x3FAD] =	sst s1  }
0xa: {  	[smem:$0x3FAE] =	sst s2  }
0xb: {  	[smem:$0x3FAF] =	sst s3  }
0xc: {  	[smem:$0x3FB0] =	sst s4  }
0xd: {  	[smem:$0x3FB1] =	sst s5  }
0xe: {  	[smem:$0x3FB2] =	sst s6  }
0xf: {  	[smem:$0x3FB3] =	sst s7  }
0x10: {  	[smem:$0x3FB4] =	sst s8  }
0x11: {  	[smem:$0x3FB5] =	sst s9;
	s0 =	simm.s32 @!p0 $0x0  }
0x12: {  	s1 =	sld [smem:$0x3F9B];
	s0 =	simm.s32 @p0 $0x1  }
0x13: {  	[smem:$0x3FB6] =	sst s0;
	s0 =	simm.s32 @!p1 $0x0  }
0x14: {  	s2 =	sld [smem:$0x3F9A];
	s0 =	simm.s32 @p1 $0x1  }
0x15: {  	[smem:$0x3FB7] =	sst s0;
	s0 =	simm.s32 @!p2 $0x0  }
0x16: {  	s3 =	sld [smem:$0x3FDB];
	s0 =	simm.s32 @p2 $0x1  }
0x17: {  	s4 =	simm.s32 $0x1BF5;
	[smem:$0x3FB9] =	sst s0  }
0x18: {  	s0 =	sld [smem:$0x3F9C];
	_ =	swait.ge [sflag:s4], $0x0  }
0x19: {  	s7 =	sld [smem:$0x3F9D]  }
0x1a: {  	s8 =	sadd.s32 $0xFFFFE003, lr  }
0x1b: {  	s9 =	sadd.s32 $0xFFFFFEF7, lr;
	s5 =	simm.s32 $0xFFFFFFFF;
	p2 =	slt.u32 s8, $0xFFFFF086  }
0x1c: {  	p1 =	slt.u32 s9, $0xF7A;
	s5 =	simm.s32 @!p2 $0x0  }
0x1d: {  	s5 =	simm.s32 @p1 $0x1;
	p0 =	seq.s32 s7, s2  }
0x1e: {  	s7 =	smul.u32 @!p0 $0xF7A, s2;
	p2 =	seq.s32 @!p0 s5, $0x0  }
0x1f: {  	s9 =	smul.u32 $0xF7A, s1;
	s8 =	simm.s32 @!p0 $0x1BF5;
	p2 =	por !p2, p0  }
0x20: {  	[sflag:s8] =	ssyncset.s32 @!p0 $0xFFFFF086;
	s6 =	sadd.s32 @!p0 s3, s7;
	s7 =	simm.s32 @!p0 $0x108  }
0x21: {  	s3 =	sadd.s32 s3, s9;
	s6 =	sadd.s32 @!p0 $0x88, s6;
	s7 =	simm.s32 @p2 $0x1082  }
0x22: {  	[simem:s7], [sflag:s8] =	dma.local @!p0 [hbm:s6], $0xF7A  }
0x23: {  	s9 =	sor.u32 $0xD0000000, s2;
	s6 =	simm.s32 $0x108;
	_ =	swait.ge @!p0 [sflag:s8], $0x0  }
0x24: {  	s3 =	sadd.s32 $0x88, s3;
	s6 =	simm.s32 @!p1 $0x1082;
	[sflag:s4] =	ssyncset.s32 $0xFFFFF086  }
0x25: {  	[simem:s6], [sflag:s4] =	dma.local [hbm:s3], $0xF7A  }
0x26: {  	[smem:$0x3F9D] =	sst s1;
	(tag) =	ssettag s2;
	_ =	strace s9  }
0x27: {  	s1 =	sld [smem:$0x3FAD]  }
0x28: {  	s2 =	sld [smem:$0x3FAE]  }
0x29: {  	s4 =	sld [smem:$0x3FB0]  }
0x2a: {  	p0 =	seq.s32 s5, $0x0;
	s5 =	sld [smem:$0x3FB1]  }
0x2b: {  	s6 =	sld [smem:$0x3FB2]  }
0x2c: {  	s7 =	sld [smem:$0x3FB3]  }
0x2d: {  	s3 =	simm.s32 $0x108;
	s8 =	sld [smem:$0x3FB4]  }
0x2e: {  	s3 =	simm.s32 @!p0 $0x1082;
	s9 =	sld [smem:$0x3FB5]  }
0x2f: {  	lr =	sadd.s32 s0, s3;
	s0 =	sld [smem:$0x3FAC]  }
0x30: {  	s3 =	sld [smem:$0x3FAF]  }
0x31: {  	[smem:$0x3FB8] =	sst s10  }
0x32: {  	s10 =	sld [smem:$0x3FB6];
	_ =	sdelay $0x3  }
0x33: {  	p0 =	seq.s32 s10, $0x1;
	s10 =	sld [smem:$0x3FB8];
	_ =	sdelay $0x3  }
0x34: {  	[smem:$0x3FB8] =	sst s10  }
0x35: {  	s10 =	sld [smem:$0x3FB7];
	_ =	sdelay $0x3  }
0x36: {  	p1 =	seq.s32 s10, $0x1;
	s10 =	sld [smem:$0x3FB8];
	_ =	sdelay $0x3  }
0x37: {  	[smem:$0x3FB8] =	sst s10  }
0x38: {  	s10 =	sld [smem:$0x3FB9]  }
0x39: {  	_ = 	snop;
	(pc) =	sbr.ind lr, $3  }
0x3a: {  	_ = 	snop  }
0x3b: {  	_ = 	snop  }
0x3c: {  	p2 =	seq.s32 s10, $0x1;
	s10 =	sld [smem:$0x3FB8]  }
0x3d: {  	_ =	shalt  }
0x3e: {  	_ =	shalt  }
0x3f: {  	_ =	shalt  }
0x40: {  	_ =	shalt  }
0x41: {  	_ =	shalt  }
0x42: {  	_ =	shalt  }
0x43: {  	_ =	shalt  }
0x44: {  	_ =	shalt  }
0x45: {  	_ =	shalt  }
0x46: {  	_ =	shalt  }
0x47: {  	_ =	shalt  }
0x48: {  	_ =	shalt  }
0x49: {  	_ =	shalt  }
0x4a: {  	_ =	shalt  }
0x4b: {  	_ =	shalt  }
0x4c: {  	_ =	shalt  }
0x4d: {  	_ =	shalt  }
0x4e: {  	_ =	shalt  }
0x4f: {  	_ =	shalt  }
0x50: {  	_ =	shalt  }
0x51: {  	_ =	shalt  }
0x52: {  	_ =	shalt  }
0x53: {  	_ =	shalt  }
0x54: {  	_ =	shalt  }
0x55: {  	_ =	shalt  }
0x56: {  	_ =	shalt  }
0x57: {  	_ =	shalt  }
0x58: {  	_ =	shalt  }
0x59: {  	_ =	shalt  }
0x5a: {  	_ =	shalt  }
0x5b: {  	_ =	shalt  }
0x5c: {  	_ =	shalt  }
0x5d: {  	_ =	shalt  }
0x5e: {  	_ =	shalt  }
0x5f: {  	_ =	shalt  }
0x60: {  	_ =	shalt  }
0x61: {  	_ =	shalt  }
0x62: {  	_ =	shalt  }
0x63: {  	_ =	shalt  }
0x64: {  	_ =	shalt  }
0x65: {  	_ =	shalt  }
0x66: {  	_ =	shalt  }
0x67: {  	_ =	shalt  }
0x68: {  	_ =	shalt  }
0x69: {  	_ =	shalt  }
0x6a: {  	_ =	shalt  }
0x6b: {  	_ =	shalt  }
0x6c: {  	_ =	shalt  }
0x6d: {  	_ =	shalt  }
0x6e: {  	_ =	shalt  }
0x6f: {  	_ =	shalt  }
0x70: {  	_ =	shalt  }
0x71: {  	_ =	shalt  }
0x72: {  	_ =	shalt  }
0x73: {  	_ =	shalt  }
0x74: {  	_ =	shalt  }
0x75: {  	_ =	shalt  }
0x76: {  	_ =	shalt  }
0x77: {  	_ =	shalt  }
0x78: {  	_ =	shalt  }
0x79: {  	_ =	shalt  }
0x7a: {  	_ =	shalt  }
0x7b: {  	_ =	shalt  }
0x7c: {  	_ =	shalt  }
0x7d: {  	_ =	shalt  }
0x7e: {  	_ =	shalt  }
0x7f: {  	_ =	shalt  }
0x80: {  	_ =	shalt  }
0x81: {  	_ =	shalt  }
0x82: {  	_ =	shalt  }
0x83: {  	_ =	shalt  }
0x84: {  	_ =	shalt  }
0x85: {  	_ =	shalt  }
0x86: {  	_ =	shalt  }
0x87: {  	_ =	shalt  }
.Lfunc_end0:
.L_simem_size_0:
called_computation_lowered:
.L_overlay_start_0:
0x88: {  	s2 =	sld [smem:$0x3FD9]  }
0x89: {  	s3 =	sld [smem:$0x3FFE];
	_ =	sdelay $0x1  }
0x8a: {  	s1 =	srdreg.scid  }
0x8b: {  	s0 =	sand.u32 $0x1, s1  }
0x8c: {  	s17 =	sshll.u32 s0, $0xA;
	s2 =	sadd.s32 s3, s2  }
0x8d: {  	s2 =	sadd.s32 s2, s17  }
0x8e: {  	[smem:$0x3FC4] =	sst s2  }
0x8f: {  	_ = 	snop  }
0x90: {  	s2 =	sld [smem:$0x3FD0];
	(tm) =	ssettm $0x1  }
0x91: {  	s18 =	sld [smem:$0x3FFB];
	_ =	sdelay $0x3  }
0x92: {  	_ =	strace s18  }
0x93: {  	s3 =	sld [smem:$0x3FFC];
	_ =	sdelay $0x3  }
0x94: {  	_ =	strace s3  }
0x95: {  	s3 =	sld [smem:$0x3FFD];
	_ =	sdelay $0x3  }
0x96: {  	_ =	strace s3  }
0x97: {  	_ =	strace $0x8FFFFFFF  }
0x98: {  	s19 =	sld [smem:$0x3FDB];
	_ =	sdelay $0x1  }
0x99: {  	s4 =	simm.s32 $_scs_section_size  }
0x9a: {  	s5 =	simm.s32 $_size__tile_overlayer_lowered;
	s6 =	simm.s32 $_tile_overlayer_lowered  }
0x9b: {  	s22 =	simm.s32 $0x1BFF;
	s21 =	sshll.u32 s6, $0x1;
	s3 =	sadd.s32 s4, s19  }
0x9c: {  	s7 =	simm.s32 $0x0;
	s20 =	sshll.u32 s5, $0x1;
	s5 =	sadd.s32 s21, s3  }
0x9d: {  	[timem:s7], [sflag:s22] =	dma.local [hbm:s5], s20  }
0x9e: {  	_ =	swait.ge [sflag:s22], s20  }
0x9f: {  	s4 =	ssub.s32 $0x0, s20;
	[sflag:s22] =	ssyncset.done $0x0  }
0xa0: {  	[sflag:s22] =	ssyncadd.s32 s4;
	_ =	sdelay $0x1  }
0xa1: {  	s23 =	simm.s32 $0x1B8B  }
0xa2: {  	_ =	swait.ge [sflag:s23], $0x1  }
0xa3: {  	[sflag:s23] =	ssyncset.done $0x0  }
0xa4: {  	s25 =	simm.s32 $0x1B8E;
	s24 =	sld [smem:$0x3FFE];
	[sflag:s23] =	ssyncadd.s32 $0xFFFFFFFF  }
0xa5: {  	s26 =	simm.s32 $execute0_lowered;
	[smem:$0x3FD2] =	sst s25  }
0xa6: {  	s5 =	sshll.u32 s26, $0x1;
	_ =	strace $0x80000046;
	[dreg:$0x1] =	wrdreg $0xFFFFFFFF  }
0xa7: {  	s28 =	simm.s32 $_size_execute0_lowered;
	s3 =	sadd.s32 s3, s5;
	[dreg:$0x0] =	wrdreg $0x0  }
0xa8: {  	s5 =	sshll.u32 s28, $0x1;
	[dreg:$0x2] =	wrdreg s3  }
0xa9: {  	[dreg:$0x3] =	wrdreg s5  }
0xaa: {  	[dreg:$0x4] =	wrdreg $0xC0  }
0xab: {  	_ =	task [dreg:s7], $0x5FFFF  }
0xac: {  	[dreg:$0x1] =	wrdreg $0xFFFFFFFF  }
0xad: {  	[dreg:$0x0] =	wrdreg $0x60  }
0xae: {  	[dreg:$0x2] =	wrdreg s24  }
0xaf: {  	[dreg:$0x3] =	wrdreg s2  }
0xb0: {  	[dreg:$0x4] =	wrdreg $0x9  }
0xb1: {  	_ =	task.clear_ibuf [dreg:s7], $0x5FFFF;
	_ =	strace $0x90000046  }
0xb2: {  	s29 =	simm.s32 $0x9;
	_ =	strace $0x80000048  }
0xb3: {  	_ =	swait.ge [sflag:s29], $0x1  }
0xb4: {  	[sflag:s29] =	ssyncadd.s32 $0xFFFFFFFF  }
0xb5: {  	_ =	strace $0x90000048  }
0xb6: {  	_ =	sfence  }
0xb7: {  	s30 =	sld [smem:$0x0];
	_ =	sdelay $0x2  }
0xb8: {  	s31 =	sshll.u32 s1, $0xD;
	s1 =	sshrl.u32 s1, $0x2  }
0xb9: {  	s3 =	sand.u32 $0x4000, s31;
	s1 =	sadd.s32 s1, s30  }
0xba: {  	s0 =	sor.u32 s3, s0;
	s1 =	sshll.u32 s1, $0x11  }
0xbb: {  	s0 =	sor.u32 s1, s0  }
0xbc: {  	s0 =	sadd.s32 $0x8F2B, s0  }
0xbd: {  	[sflag:s0] =	ssyncadd.remote.s32 $0x1  }
0xbe: {  	_ =	sfence.sel $0xFFFF  }
0xbf: {  	[dreg:$0x0] =	wrdreg $0xFFFFFFFF;
	(pc) =	sbr.abs _section_cstart, $3  }
0xc0: {  	[dreg:$0x1] =	wrdreg $0xFFFFFFFF  }
0xc1: {  	_ =	task.clear_ibuf [dreg:s7], $0x2FFFF;
	_ =	strace $0x9FFFFFFF  }
0xc2: {  	(tm) =	ssettm $0x7FFFFFFF  }
0xc3: {  	_ =	shalt  }
tec
execute0_lowered:
.L_overlay_start_1:
0x0: {  	(tag) =	ssettag $0x1  }
0x1: {  	s1 =	srdreg.scid;
	s5 =	rddreg [dreg:$0x0]  }
0x2: {  	s0 =	stileid.u32;
	s2 =	rddreg [dreg:$0x1];
	s3 =	simm.s32 $0x0  }
0x3: {  	s15 =	simm.s32 $0x3;
	s16 =	simm.s32 $0x8D80;
	s17 =	simm.s32 $0x15618  }
0x4: {  	s18 =	simm.s32 $0x1;
	s19 =	simm.s32 $0x2;
	s20 =	simm.s32 $0x0  }
0x5: {  	s4 =	sand.u32 $0x1, s1;
	s31 =	sshll.u32 s0, $0x1;
	s1 =	rddreg [dreg:$0x2]  }
0x6: {  	[smem:$0x7FF] =	sst s3;
	s10 =	sadd.s32 $0x4000, s2;
	s11 =	sadd.s32 $0x5000, s2  }
0x7: {  	s12 =	sadd.s32 $0x6000, s2;
	s13 =	sadd.s32 $0x7000, s2;
	s7 =	sor.u32 s4, s31  }
0x8: {  	_ =	strace $0x80000047;
	s8 =	ssub.s32 $0x2, s4;
	s4 =	sadd.s32 $0x25600, s5  }
0x9: {  	s6 =	smul.u32 $0x11B0, s7;
	s9 =	sshrl.u32 s8, $0x1;
	s7 =	sshll.u32 s7, $0xA  }
0xa: {  	s14 =	ssub.s32 s8, s9;
	[dreg:$0x3] =	wrdreg s7;
	s7 =	sadd.s32 $0x1000, s2  }
0xb: {  	v0 =	vlaneseq.u32;
	s8 =	sadd.s32 $0x2000, s2;
	s9 =	sadd.s32 $0x3000, s2;
	s6 =	sadd.s32 s6, s5  }
0xc: {  	v0 =	vmul.u32 $0x11B, v0;
	s5 =	sadd.s32 $0x600, s5;
	s14 =	smax.u32 s14, $0x1;
	s6 =	sadd.s32 $0x2000, s6  }
.LBB2_1:
0xd: {  	[tilespmem:s3], [sflag:$0x3] =	stream.linear.gather [hbm4b:s6+s3], $0x8D80, $0x38;
	[tilespmem:$0x19738] =	vst v63  }
0xe: {  	_ =	swait.ge [sflag:s15], $0x8D80  }
0xf: {  	[sflag:s15] =	ssyncset.done $0x0  }
0x10: {  	[sflag:s15] =	ssyncadd.s32 $0xFFFF7280  }
0x11: {  	[tilespmem:s16], [sflag:$0x3] =	stream.linear.gather [hbm4b:s5+s3], $0xC898, $0x38;
	[tilespmem:$0x19738] =	vst v63  }
0x12: {  	_ =	swait.ge [sflag:s15], $0xC898  }
0x13: {  	[sflag:s15] =	ssyncset.done $0x0  }
0x14: {  	[sflag:s15] =	ssyncadd.s32 $0xFFFF3768  }
0x15: {  	[tilespmem:s17], [sflag:$0x3] =	stream.linear.gather [hbm4b:s4+s3], $0x11B, $0x38;
	[tilespmem:$0x19738] =	vst v63  }
0x16: {  	_ =	swait.ge [sflag:s15], $0x11B  }
0x17: {  	[sflag:s15] =	ssyncset.done $0x0  }
0x18: {  	s21 =	simm.s32 $0x0;
	[sflag:s15] =	ssyncadd.s32 $0xFFFFFEE5  }
.LBB2_2:
0x19: {  	s23 =	sand.u32 $0x7, s21  }
0x1a: {  	p1 =	sgt.u32 s21, $0xF;
	p0 =	seq.s32 s23, $0x0  }
0x1b: {  	s22 =	sshrl.u32 s21, $0x3;
	p0 =	por !p1, !p0  }
0x1c: {  	s24 =	sand.u32 $0x1, s22;
	p1 =	por !p0, !p0  }
0x1d: {  	p0 =	sne.s32 @p1 s24, $0x0  }
0x1e: {  	p2 =	por p0, !p1  }
0x1f: {  	s25 =	simm.s32 @!p2 $0x1  }
0x20: {  	_ =	swait.ge @!p2 [sflag:s25], $0x400  }
0x21: {  	[sflag:s25] =	ssyncset.done @!p2 $0x0  }
0x22: {  	[sflag:s25] =	ssyncadd.s32 @!p2 $0xFFFFFC00  }
0x23: {  	_ =	swait.ge @!p2 [sflag:s25], $0x400  }
0x24: {  	[sflag:s25] =	ssyncset.done @!p2 $0x0  }
0x25: {  	[sflag:s25] =	ssyncadd.s32 @!p2 $0xFFFFFC00  }
0x26: {  	_ =	swait.ge @!p2 [sflag:s25], $0x400  }
0x27: {  	[sflag:s25] =	ssyncset.done @!p2 $0x0  }
0x28: {  	[sflag:s25] =	ssyncadd.s32 @!p2 $0xFFFFFC00  }
0x29: {  	_ =	swait.ge @!p2 [sflag:s25], $0x400  }
0x2a: {  	[sflag:s25] =	ssyncset.done @!p2 $0x0  }
0x2b: {  	[sflag:s25] =	ssyncadd.s32 @!p2 $0xFFFFFC00  }
0x2c: {  	_ =	swait.ge @!p2 [sflag:s25], $0x400  }
0x2d: {  	[sflag:s25] =	ssyncset.done @!p2 $0x0  }
0x2e: {  	[sflag:s25] =	ssyncadd.s32 @!p2 $0xFFFFFC00  }
0x2f: {  	_ =	swait.ge @!p2 [sflag:s25], $0x400  }
0x30: {  	[sflag:s25] =	ssyncset.done @!p2 $0x0  }
0x31: {  	[sflag:s25] =	ssyncadd.s32 @!p2 $0xFFFFFC00  }
0x32: {  	_ =	swait.ge @!p2 [sflag:s25], $0x400  }
0x33: {  	[sflag:s25] =	ssyncset.done @!p2 $0x0  }
0x34: {  	p6 =	seq.s32 s24, $0x1;
	[sflag:s25] =	ssyncadd.s32 @!p2 $0xFFFFFC00  }
0x35: {  	p1 =	por !p1, !p6;
	_ =	swait.ge @!p2 [sflag:s25], $0x400  }
0x36: {  	p1 =	por !p1, !p1;
	[sflag:s25] =	ssyncset.done @!p2 $0x0  }
0x37: {  	[sflag:s25] =	ssyncadd.s32 @!p2 $0xFFFFFC00;
	s25 =	simm.s32 @p1 $0x2  }
0x38: {  	_ =	swait.ge @p1 [sflag:s25], $0x400  }
0x39: {  	[sflag:s25] =	ssyncset.done @p1 $0x0  }
0x3a: {  	[sflag:s25] =	ssyncadd.s32 @p1 $0xFFFFFC00  }
0x3b: {  	_ =	swait.ge @p1 [sflag:s25], $0x400  }
0x3c: {  	[sflag:s25] =	ssyncset.done @p1 $0x0  }
0x3d: {  	[sflag:s25] =	ssyncadd.s32 @p1 $0xFFFFFC00  }
0x3e: {  	_ =	swait.ge @p1 [sflag:s25], $0x400  }
0x3f: {  	[sflag:s25] =	ssyncset.done @p1 $0x0  }
0x40: {  	[sflag:s25] =	ssyncadd.s32 @p1 $0xFFFFFC00  }
0x41: {  	_ =	swait.ge @p1 [sflag:s25], $0x400  }
0x42: {  	[sflag:s25] =	ssyncset.done @p1 $0x0  }
0x43: {  	[sflag:s25] =	ssyncadd.s32 @p1 $0xFFFFFC00  }
0x44: {  	_ =	swait.ge @p1 [sflag:s25], $0x400  }
0x45: {  	[sflag:s25] =	ssyncset.done @p1 $0x0  }
0x46: {  	[sflag:s25] =	ssyncadd.s32 @p1 $0xFFFFFC00  }
0x47: {  	_ =	swait.ge @p1 [sflag:s25], $0x400  }
0x48: {  	[sflag:s25] =	ssyncset.done @p1 $0x0  }
0x49: {  	s26 =	smul.u32 $0x11B0, s23;
	[sflag:s25] =	ssyncadd.s32 @p1 $0xFFFFFC00  }
0x4a: {  	_ =	swait.ge @p1 [sflag:s25], $0x400  }
0x4b: {  	v1 =	vmov s22;
	s26 =	sadd.s32 s22, s26;
	[sflag:s25] =	ssyncset.done @p1 $0x0  }
0x4c: {  	v2 =	vadd.s32 s26, v0;
	[sflag:s25] =	ssyncadd.s32 @p1 $0xFFFFFC00  }
0x4d: {  	_ =	swait.ge @p1 [sflag:s25], $0x400  }
0x4e: {  	[sflag:s25] =	ssyncset.done @p1 $0x0  }
0x4f: {  	[sflag:s25] =	ssyncadd.s32 @p1 $0xFFFFFC00  }
0x50: {  	v1 =	vld.idx.msk [tilespmem:v1+s17+$0x0], $0xffff  }
0x51: {  	v2 =	vld.idx.msk [tilespmem:v2+s3+$0x0], $0xffff;
	_ =	sdelay $0x4  }
0x52: {  	v1 =	vadd.s32 v1, v2  }
0x53: {  	v1 =	vmul.u32 $0x41, v1;
	_ =	sdelay $0x1  }
0x54: {  	v2 =	vadd.s32 $0x1, v1  }
0x55: {  	v3 =	vadd.s32 $0x2, v1  }
0x56: {  	v4 =	vadd.s32 $0x3, v1  }
0x57: {  	v5 =	vadd.s32 $0x4, v1  }
0x58: {  	v7 =	vadd.s32 $0x5, v1;
	v6 =	vld.idx.msk [tilespmem:v1+s16+$0x0], $0xffff  }
0x59: {  	v8 =	vadd.s32 $0x6, v1;
	v2 =	vld.idx.msk [tilespmem:v2+s16+$0x0], $0xffff  }
0x5a: {  	v9 =	vadd.s32 $0x7, v1;
	v3 =	vld.idx.msk [tilespmem:v3+s16+$0x0], $0xffff  }
0x5b: {  	v10 =	vadd.s32 $0x8, v1;
	v4 =	vld.idx.msk [tilespmem:v4+s16+$0x0], $0xffff  }
0x5c: {  	v11 =	vadd.s32 $0x9, v1;
	v5 =	vld.idx.msk [tilespmem:v5+s16+$0x0], $0xffff  }
0x5d: {  	v12 =	vadd.s32 $0xA, v1;
	v7 =	vld.idx.msk [tilespmem:v7+s16+$0x0], $0xffff  }
0x5e: {  	v13 =	vadd.s32 $0xB, v1;
	v8 =	vld.idx.msk [tilespmem:v8+s16+$0x0], $0xffff  }
0x5f: {  	v14 =	vadd.s32 $0xC, v1;
	v9 =	vld.idx.msk [tilespmem:v9+s16+$0x0], $0xffff  }
0x60: {  	v15 =	vadd.s32 $0xD, v1;
	v10 =	vld.idx.msk [tilespmem:v10+s16+$0x0], $0xffff  }
0x61: {  	v16 =	vadd.s32 $0xE, v1;
	v11 =	vld.idx.msk [tilespmem:v11+s16+$0x0], $0xffff  }
0x62: {  	v17 =	vadd.s32 $0xF, v1;
	v12 =	vld.idx.msk [tilespmem:v12+s16+$0x0], $0xffff  }
0x63: {  	v13 =	vld.idx.msk [tilespmem:v13+s16+$0x0], $0xffff  }
0x64: {  	s30 =	sshll.u32 s24, $0xD;
	v14 =	vld.idx.msk [tilespmem:v14+s16+$0x0], $0xffff  }
0x65: {  	s31 =	sshll.u32 s23, $0x4;
	s25 =	sor.u32 $0x15738, s30;
	v15 =	vld.idx.msk [tilespmem:v15+s16+$0x0], $0xffff  }
0x66: {  	s26 =	sadd.s32 s31, s25;
	v16 =	vld.idx.msk [tilespmem:v16+s16+$0x0], $0xffff  }
0x67: {  	v17 =	vld.idx.msk [tilespmem:v17+s16+$0x0], $0xffff;
	[tilespmem:s26+$0x0] =	vst v6  }
0x68: {  	[tilespmem:s26+$0x80] =	vst v2  }
0x69: {  	[tilespmem:s26+$0x100] =	vst v3  }
0x6a: {  	[tilespmem:s26+$0x180] =	vst v4  }
0x6b: {  	[tilespmem:s26+$0x200] =	vst v5  }
0x6c: {  	[tilespmem:s26+$0x280] =	vst v7  }
0x6d: {  	[tilespmem:s26+$0x300] =	vst v8  }
0x6e: {  	[tilespmem:s26+$0x380] =	vst v9  }
0x6f: {  	[tilespmem:s26+$0x400] =	vst v10  }
0x70: {  	[tilespmem:s26+$0x480] =	vst v11  }
0x71: {  	[tilespmem:s26+$0x500] =	vst v12  }
0x72: {  	v23 =	vadd.s32 $0x12, v1;
	[tilespmem:s26+$0x580] =	vst v13  }
0x73: {  	v24 =	vadd.s32 $0x13, v1;
	[tilespmem:s26+$0x600] =	vst v14  }
0x74: {  	v25 =	vadd.s32 $0x14, v1;
	[tilespmem:s26+$0x680] =	vst v15  }
0x75: {  	v26 =	vadd.s32 $0x15, v1;
	[tilespmem:s26+$0x700] =	vst v16  }
0x76: {  	v27 =	vadd.s32 $0x16, v1;
	[tilespmem:s26+$0x780] =	vst v17  }
0x77: {  	v28 =	vadd.s32 $0x17, v1;
	v4 =	vld.idx.msk [tilespmem:v23+s16+$0x0], $0xffff  }
0x78: {  	v29 =	vadd.s32 $0x18, v1;
	v5 =	vld.idx.msk [tilespmem:v24+s16+$0x0], $0xffff  }
0x79: {  	v30 =	vadd.s32 $0x19, v1;
	v6 =	vld.idx.msk [tilespmem:v25+s16+$0x0], $0xffff  }
0x7a: {  	v31 =	vadd.s32 $0x1A, v1;
	v7 =	vld.idx.msk [tilespmem:v26+s16+$0x0], $0xffff  }
0x7b: {  	v32 =	vadd.s32 $0x1B, v1;
	v8 =	vld.idx.msk [tilespmem:v27+s16+$0x0], $0xffff  }
0x7c: {  	v33 =	vadd.s32 $0x1C, v1;
	v9 =	vld.idx.msk [tilespmem:v28+s16+$0x0], $0xffff  }
0x7d: {  	v34 =	vadd.s32 $0x1D, v1;
	v10 =	vld.idx.msk [tilespmem:v29+s16+$0x0], $0xffff  }
0x7e: {  	v35 =	vadd.s32 $0x1E, v1;
	v11 =	vld.idx.msk [tilespmem:v30+s16+$0x0], $0xffff  }
0x7f: {  	v36 =	vadd.s32 $0x1F, v1;
	v12 =	vld.idx.msk [tilespmem:v31+s16+$0x0], $0xffff  }
0x80: {  	v2 =	vadd.s32 $0x10, v1;
	v13 =	vld.idx.msk [tilespmem:v32+s16+$0x0], $0xffff  }
0x81: {  	v3 =	vadd.s32 $0x11, v1;
	v14 =	vld.idx.msk [tilespmem:v33+s16+$0x0], $0xffff  }
0x82: {  	v15 =	vld.idx.msk [tilespmem:v34+s16+$0x0], $0xffff  }
0x83: {  	v16 =	vld.idx.msk [tilespmem:v35+s16+$0x0], $0xffff  }
0x84: {  	v17 =	vld.idx.msk [tilespmem:v36+s16+$0x0], $0xffff  }
0x85: {  	v2 =	vld.idx.msk [tilespmem:v2+s16+$0x0], $0xffff  }
0x86: {  	v3 =	vld.idx.msk [tilespmem:v3+s16+$0x0], $0xffff;
	[tilespmem:s26+$0x900] =	vst v4  }
0x87: {  	[tilespmem:s26+$0x980] =	vst v5  }
0x88: {  	[tilespmem:s26+$0xA00] =	vst v6  }
0x89: {  	[tilespmem:s26+$0xA80] =	vst v7  }
0x8a: {  	[tilespmem:s26+$0xB00] =	vst v8  }
0x8b: {  	[tilespmem:s26+$0xB80] =	vst v9  }
0x8c: {  	[tilespmem:s26+$0xC00] =	vst v10  }
0x8d: {  	[tilespmem:s26+$0xC80] =	vst v11  }
0x8e: {  	[tilespmem:s26+$0xD00] =	vst v12  }
0x8f: {  	[tilespmem:s26+$0xD80] =	vst v13  }
0x90: {  	[tilespmem:s26+$0xE00] =	vst v14  }
0x91: {  	v37 =	vadd.s32 $0x22, v1;
	[tilespmem:s26+$0xE80] =	vst v15  }
0x92: {  	v38 =	vadd.s32 $0x23, v1;
	[tilespmem:s26+$0xF00] =	vst v16  }
0x93: {  	v39 =	vadd.s32 $0x24, v1;
	[tilespmem:s26+$0xF80] =	vst v17  }
0x94: {  	v40 =	vadd.s32 $0x25, v1;
	[tilespmem:s26+$0x800] =	vst v2  }
0x95: {  	v41 =	vadd.s32 $0x26, v1;
	[tilespmem:s26+$0x880] =	vst v3  }
0x96: {  	v42 =	vadd.s32 $0x27, v1;
	v4 =	vld.idx.msk [tilespmem:v37+s16+$0x0], $0xffff  }
0x97: {  	v43 =	vadd.s32 $0x28, v1;
	v5 =	vld.idx.msk [tilespmem:v38+s16+$0x0], $0xffff  }
0x98: {  	v44 =	vadd.s32 $0x29, v1;
	v6 =	vld.idx.msk [tilespmem:v39+s16+$0x0], $0xffff  }
0x99: {  	v45 =	vadd.s32 $0x2A, v1;
	v7 =	vld.idx.msk [tilespmem:v40+s16+$0x0], $0xffff  }
0x9a: {  	v46 =	vadd.s32 $0x2B, v1;
	v8 =	vld.idx.msk [tilespmem:v41+s16+$0x0], $0xffff  }
0x9b: {  	v47 =	vadd.s32 $0x2C, v1;
	v9 =	vld.idx.msk [tilespmem:v42+s16+$0x0], $0xffff  }
0x9c: {  	v48 =	vadd.s32 $0x2D, v1;
	v10 =	vld.idx.msk [tilespmem:v43+s16+$0x0], $0xffff  }
0x9d: {  	v49 =	vadd.s32 $0x2E, v1;
	v11 =	vld.idx.msk [tilespmem:v44+s16+$0x0], $0xffff  }
0x9e: {  	v50 =	vadd.s32 $0x2F, v1;
	v12 =	vld.idx.msk [tilespmem:v45+s16+$0x0], $0xffff  }
0x9f: {  	v2 =	vadd.s32 $0x20, v1;
	v13 =	vld.idx.msk [tilespmem:v46+s16+$0x0], $0xffff  }
0xa0: {  	v3 =	vadd.s32 $0x21, v1;
	v14 =	vld.idx.msk [tilespmem:v47+s16+$0x0], $0xffff  }
0xa1: {  	v15 =	vld.idx.msk [tilespmem:v48+s16+$0x0], $0xffff  }
0xa2: {  	v16 =	vld.idx.msk [tilespmem:v49+s16+$0x0], $0xffff  }
0xa3: {  	v17 =	vld.idx.msk [tilespmem:v50+s16+$0x0], $0xffff  }
0xa4: {  	v2 =	vld.idx.msk [tilespmem:v2+s16+$0x0], $0xffff  }
0xa5: {  	v3 =	vld.idx.msk [tilespmem:v3+s16+$0x0], $0xffff;
	[tilespmem:s26+$0x1100] =	vst v4  }
0xa6: {  	[tilespmem:s26+$0x1180] =	vst v5  }
0xa7: {  	[tilespmem:s26+$0x1200] =	vst v6  }
0xa8: {  	[tilespmem:s26+$0x1280] =	vst v7  }
0xa9: {  	[tilespmem:s26+$0x1300] =	vst v8  }
0xaa: {  	[tilespmem:s26+$0x1380] =	vst v9  }
0xab: {  	[tilespmem:s26+$0x1400] =	vst v10  }
0xac: {  	[tilespmem:s26+$0x1480] =	vst v11  }
0xad: {  	[tilespmem:s26+$0x1500] =	vst v12  }
0xae: {  	[tilespmem:s26+$0x1580] =	vst v13  }
0xaf: {  	[tilespmem:s26+$0x1600] =	vst v14  }
0xb0: {  	v51 =	vadd.s32 $0x32, v1;
	[tilespmem:s26+$0x1680] =	vst v15  }
0xb1: {  	v52 =	vadd.s32 $0x33, v1;
	[tilespmem:s26+$0x1700] =	vst v16  }
0xb2: {  	v53 =	vadd.s32 $0x34, v1;
	[tilespmem:s26+$0x1780] =	vst v17  }
0xb3: {  	v54 =	vadd.s32 $0x35, v1;
	[tilespmem:s26+$0x1000] =	vst v2  }
0xb4: {  	v55 =	vadd.s32 $0x36, v1;
	[tilespmem:s26+$0x1080] =	vst v3  }
0xb5: {  	v56 =	vadd.s32 $0x37, v1;
	v4 =	vld.idx.msk [tilespmem:v51+s16+$0x0], $0xffff  }
0xb6: {  	v57 =	vadd.s32 $0x38, v1;
	v5 =	vld.idx.msk [tilespmem:v52+s16+$0x0], $0xffff  }
0xb7: {  	v58 =	vadd.s32 $0x39, v1;
	v6 =	vld.idx.msk [tilespmem:v53+s16+$0x0], $0xffff  }
0xb8: {  	v59 =	vadd.s32 $0x3A, v1;
	v7 =	vld.idx.msk [tilespmem:v54+s16+$0x0], $0xffff  }
0xb9: {  	v60 =	vadd.s32 $0x3B, v1;
	v8 =	vld.idx.msk [tilespmem:v55+s16+$0x0], $0xffff  }
0xba: {  	v61 =	vadd.s32 $0x3C, v1;
	v9 =	vld.idx.msk [tilespmem:v56+s16+$0x0], $0xffff  }
0xbb: {  	v62 =	vadd.s32 $0x3D, v1;
	v10 =	vld.idx.msk [tilespmem:v57+s16+$0x0], $0xffff  }
0xbc: {  	v63 =	vadd.s32 $0x3E, v1;
	v11 =	vld.idx.msk [tilespmem:v58+s16+$0x0], $0xffff  }
0xbd: {  	v2 =	vadd.s32 $0x30, v1;
	v12 =	vld.idx.msk [tilespmem:v59+s16+$0x0], $0xffff  }
0xbe: {  	v3 =	vadd.s32 $0x31, v1;
	v13 =	vld.idx.msk [tilespmem:v60+s16+$0x0], $0xffff  }
0xbf: {  	v1 =	vadd.s32 $0x3F, v1;
	v14 =	vld.idx.msk [tilespmem:v61+s16+$0x0], $0xffff  }
0xc0: {  	v15 =	vld.idx.msk [tilespmem:v62+s16+$0x0], $0xffff  }
0xc1: {  	v16 =	vld.idx.msk [tilespmem:v63+s16+$0x0], $0xffff  }
0xc2: {  	v2 =	vld.idx.msk [tilespmem:v2+s16+$0x0], $0xffff  }
0xc3: {  	v3 =	vld.idx.msk [tilespmem:v3+s16+$0x0], $0xffff  }
0xc4: {  	v1 =	vld.idx.msk [tilespmem:v1+s16+$0x0], $0xffff;
	[tilespmem:s26+$0x1900] =	vst v4  }
0xc5: {  	[tilespmem:s26+$0x1980] =	vst v5  }
0xc6: {  	[tilespmem:s26+$0x1A00] =	vst v6  }
0xc7: {  	[tilespmem:s26+$0x1A80] =	vst v7  }
0xc8: {  	[tilespmem:s26+$0x1B00] =	vst v8  }
0xc9: {  	[tilespmem:s26+$0x1B80] =	vst v9  }
0xca: {  	[tilespmem:s26+$0x1C00] =	vst v10  }
0xcb: {  	[tilespmem:s26+$0x1C80] =	vst v11  }
0xcc: {  	[tilespmem:s26+$0x1D00] =	vst v12  }
0xcd: {  	[tilespmem:s26+$0x1D80] =	vst v13  }
0xce: {  	[tilespmem:s26+$0x1E00] =	vst v14  }
0xcf: {  	p1 =	sne.s32 s23, $0x7;
	[tilespmem:s26+$0x1E80] =	vst v15  }
0xd0: {  	s22 =	sshll.u32 s22, $0x12;
	s28 =	rddreg [dreg:$0x3];
	p2 =	sne.s32 @!p1 s24, $0x0;
	[tilespmem:s26+$0x1F00] =	vst v16  }
0xd1: {  	s22 =	sor.u32 s28, s22;
	p2 =	por p2, p1;
	[tilespmem:s26+$0x1800] =	vst v2  }
0xd2: {  	s23 =	sshrl.u32 @!p2 s22, $0x3;
	[tilespmem:s26+$0x1880] =	vst v3  }
0xd3: {  	s24 =	sadd.s32 @!p2 s2, s23;
	[tilespmem:s26+$0x1F80] =	vst v1;
	s26 =	simm.s32 @!p2 $0x0  }
0xd4: {  	[hbm4b:s24+s26] =	stream.linear.scatter @!p2 [tilespmem:s25], [sflag:$0x1], $0x400, $0x38;
	[tilespmem:$0x19738] =	vst v63  }
0xd5: {  	s24 =	sadd.s32 @!p2 s23, s7;
	s25 =	simm.s32 @!p2 $0x15B38  }
0xd6: {  	[hbm4b:s24+s26] =	stream.linear.scatter @!p2 [tilespmem:s25], [sflag:$0x1], $0x400, $0x38;
	[tilespmem:$0x19738] =	vst v63  }
0xd7: {  	s24 =	sadd.s32 @!p2 s23, s8;
	s25 =	simm.s32 @!p2 $0x15F38  }
0xd8: {  	[hbm4b:s24+s26] =	stream.linear.scatter @!p2 [tilespmem:s25], [sflag:$0x1], $0x400, $0x38;
	[tilespmem:$0x19738] =	vst v63  }
0xd9: {  	s24 =	sadd.s32 @!p2 s23, s9;
	s25 =	simm.s32 @!p2 $0x16338  }
0xda: {  	[hbm4b:s24+s26] =	stream.linear.scatter @!p2 [tilespmem:s25], [sflag:$0x1], $0x400, $0x38;
	[tilespmem:$0x19738] =	vst v63  }
0xdb: {  	s24 =	sadd.s32 @!p2 s23, s10;
	s25 =	simm.s32 @!p2 $0x16738  }
0xdc: {  	[hbm4b:s24+s26] =	stream.linear.scatter @!p2 [tilespmem:s25], [sflag:$0x1], $0x400, $0x38;
	[tilespmem:$0x19738] =	vst v63  }
0xdd: {  	p0 =	por !p6, !p6;
	s24 =	sadd.s32 @!p2 s23, s11;
	s25 =	simm.s32 @!p2 $0x16B38  }
0xde: {  	[hbm4b:s24+s26] =	stream.linear.scatter @!p2 [tilespmem:s25], [sflag:$0x1], $0x400, $0x38;
	[tilespmem:$0x19738] =	vst v63  }
0xdf: {  	p0 =	por p1, p0;
	s24 =	sadd.s32 @!p2 s23, s12;
	s25 =	simm.s32 @!p2 $0x16F38  }
0xe0: {  	[hbm4b:s24+s26] =	stream.linear.scatter @!p2 [tilespmem:s25], [sflag:$0x1], $0x400, $0x38;
	[tilespmem:$0x19738] =	vst v63  }
0xe1: {  	s22 =	sshrl.u32 @!p0 s22, $0x3;
	s23 =	sadd.s32 @!p2 s23, s13;
	s24 =	simm.s32 @!p2 $0x17338  }
0xe2: {  	[hbm4b:s23+s26] =	stream.linear.scatter @!p2 [tilespmem:s24], [sflag:$0x1], $0x400, $0x38;
	[tilespmem:$0x19738] =	vst v63  }
0xe3: {  	s25 =	simm.s32 @!p0 $0x17738;
	s23 =	sadd.s32 @!p0 s2, s22;
	s24 =	simm.s32 @!p0 $0x0  }
0xe4: {  	[hbm4b:s23+s24] =	stream.linear.scatter @!p0 [tilespmem:s25], [sflag:$0x2], $0x400, $0x38;
	[tilespmem:$0x19738] =	vst v63  }
0xe5: {  	s23 =	sadd.s32 @!p0 s22, s7;
	s25 =	simm.s32 @!p0 $0x17B38  }
0xe6: {  	[hbm4b:s23+s24] =	stream.linear.scatter @!p0 [tilespmem:s25], [sflag:$0x2], $0x400, $0x38;
	[tilespmem:$0x19738] =	vst v63  }
0xe7: {  	s23 =	sadd.s32 @!p0 s22, s8;
	s25 =	simm.s32 @!p0 $0x17F38  }
0xe8: {  	[hbm4b:s23+s24] =	stream.linear.scatter @!p0 [tilespmem:s25], [sflag:$0x2], $0x400, $0x38;
	[tilespmem:$0x19738] =	vst v63  }
0xe9: {  	s23 =	sadd.s32 @!p0 s22, s9;
	s25 =	simm.s32 @!p0 $0x18338  }
0xea: {  	[hbm4b:s23+s24] =	stream.linear.scatter @!p0 [tilespmem:s25], [sflag:$0x2], $0x400, $0x38;
	[tilespmem:$0x19738] =	vst v63  }
0xeb: {  	s23 =	sadd.s32 @!p0 s22, s10;
	s25 =	simm.s32 @!p0 $0x18738  }
0xec: {  	[hbm4b:s23+s24] =	stream.linear.scatter @!p0 [tilespmem:s25], [sflag:$0x2], $0x400, $0x38;
	[tilespmem:$0x19738] =	vst v63  }
0xed: {  	s23 =	sadd.s32 @!p0 s22, s11;
	s25 =	simm.s32 @!p0 $0x18B38  }
0xee: {  	[hbm4b:s23+s24] =	stream.linear.scatter @!p0 [tilespmem:s25], [sflag:$0x2], $0x400, $0x38;
	[tilespmem:$0x19738] =	vst v63  }
0xef: {  	s23 =	sadd.s32 @!p0 s22, s12;
	s25 =	simm.s32 @!p0 $0x18F38  }
0xf0: {  	[hbm4b:s23+s24] =	stream.linear.scatter @!p0 [tilespmem:s25], [sflag:$0x2], $0x400, $0x38;
	[tilespmem:$0x19738] =	vst v63  }
0xf1: {  	s21 =	sadd.s32 $0x1, s21;
	s22 =	sadd.s32 @!p0 s22, s13;
	s23 =	simm.s32 @!p0 $0x19338  }
0xf2: {  	[hbm4b:s22+s24] =	stream.linear.scatter @!p0 [tilespmem:s23], [sflag:$0x2], $0x400, $0x38;
	[tilespmem:$0x19738] =	vst v63  }
0xf3: {  	p0 =	sne.s32 s21, $0x8D8  }
.Ltmp0:
0xf4: {  	_ = 	snop;
	(pc) =	sbr.rel @p0 .LBB2_2-.Ltmp0, $1  }
0xf5: {  	_ =	sdelay $0x3  }
0xf6: {  	_ =	swait.ge [sflag:s18], $0x400  }
0xf7: {  	[sflag:s18] =	ssyncset.done $0x0  }
0xf8: {  	[sflag:s18] =	ssyncadd.s32 $0xFFFFFC00  }
0xf9: {  	_ =	swait.ge [sflag:s19], $0x400  }
0xfa: {  	[sflag:s19] =	ssyncset.done $0x0  }
0xfb: {  	[sflag:s19] =	ssyncadd.s32 $0xFFFFFC00  }
0xfc: {  	_ =	swait.ge [sflag:s18], $0x400  }
0xfd: {  	[sflag:s18] =	ssyncset.done $0x0  }
0xfe: {  	[sflag:s18] =	ssyncadd.s32 $0xFFFFFC00  }
0xff: {  	_ =	swait.ge [sflag:s19], $0x400  }
0x100: {  	[sflag:s19] =	ssyncset.done $0x0  }
0x101: {  	[sflag:s19] =	ssyncadd.s32 $0xFFFFFC00  }
0x102: {  	_ =	swait.ge [sflag:s18], $0x400  }
0x103: {  	[sflag:s18] =	ssyncset.done $0x0  }
0x104: {  	[sflag:s18] =	ssyncadd.s32 $0xFFFFFC00  }
0x105: {  	_ =	swait.ge [sflag:s19], $0x400  }
0x106: {  	[sflag:s19] =	ssyncset.done $0x0  }
0x107: {  	[sflag:s19] =	ssyncadd.s32 $0xFFFFFC00  }
0x108: {  	_ =	swait.ge [sflag:s18], $0x400  }
0x109: {  	[sflag:s18] =	ssyncset.done $0x0  }
0x10a: {  	[sflag:s18] =	ssyncadd.s32 $0xFFFFFC00  }
0x10b: {  	_ =	swait.ge [sflag:s19], $0x400  }
0x10c: {  	[sflag:s19] =	ssyncset.done $0x0  }
0x10d: {  	[sflag:s19] =	ssyncadd.s32 $0xFFFFFC00  }
0x10e: {  	_ =	swait.ge [sflag:s18], $0x400  }
0x10f: {  	[sflag:s18] =	ssyncset.done $0x0  }
0x110: {  	[sflag:s18] =	ssyncadd.s32 $0xFFFFFC00  }
0x111: {  	_ =	swait.ge [sflag:s19], $0x400  }
0x112: {  	[sflag:s19] =	ssyncset.done $0x0  }
0x113: {  	[sflag:s19] =	ssyncadd.s32 $0xFFFFFC00  }
0x114: {  	_ =	swait.ge [sflag:s18], $0x400  }
0x115: {  	[sflag:s18] =	ssyncset.done $0x0  }
0x116: {  	[sflag:s18] =	ssyncadd.s32 $0xFFFFFC00  }
0x117: {  	_ =	swait.ge [sflag:s19], $0x400  }
0x118: {  	[sflag:s19] =	ssyncset.done $0x0  }
0x119: {  	[sflag:s19] =	ssyncadd.s32 $0xFFFFFC00  }
0x11a: {  	_ =	swait.ge [sflag:s18], $0x400  }
0x11b: {  	[sflag:s18] =	ssyncset.done $0x0  }
0x11c: {  	[sflag:s18] =	ssyncadd.s32 $0xFFFFFC00  }
0x11d: {  	_ =	swait.ge [sflag:s19], $0x400  }
0x11e: {  	[sflag:s19] =	ssyncset.done $0x0  }
0x11f: {  	s20 =	sadd.s32 $0x1, s20;
	[sflag:s19] =	ssyncadd.s32 $0xFFFFFC00  }
0x120: {  	p0 =	sne.s32 s20, s14;
	_ =	swait.ge [sflag:s18], $0x400  }
.Ltmp1:
0x121: {  	[sflag:s18] =	ssyncset.done $0x0;
	(pc) =	sbr.rel @p0 .LBB2_1-.Ltmp1, $4  }
0x122: {  	[sflag:s18] =	ssyncadd.s32 $0xFFFFFC00  }
0x123: {  	_ =	swait.ge [sflag:s19], $0x400  }
0x124: {  	[sflag:s19] =	ssyncset.done $0x0  }
0x125: {  	[sflag:s19] =	ssyncadd.s32 $0xFFFFFC00  }
0x126: {  	_ =	sfence.sel $0x180000  }
0x127: {  	[bflag:$0x0] =	sbarrier.arrive $0xFFFF  }
0x128: {  	p0 =	sne.s32 s0, $0x0;
	_ =	strace $0x90000047  }
0x129: {  	s0 =	sadd.s32 @!p0 $0x100000, s1;
	[bflag:$0x2] =	sbarrier.arrive $0xFFFF  }
0x12a: {  	[sflag:s0] =	ssyncadd.tile.s32 @!p0 $0x1;
	_ =	shalt  }
.Lfunc_end2:
_tile_overlayer_lowered:
.L_overlay_start_2:
0x12b: {  	(tag) =	ssettag $0x2  }
0x12c: {  	s0 =	rddreg [dreg:$0x0];
	s2 =	stileid.u32  }
0x12d: {  	s1 =	rddreg [dreg:$0x1];
	p0 =	sne.s32 s2, $0x0  }
0x12e: {  	s3 =	rddreg [dreg:$0x2];
	[bflag:$0x3] =	sbarrier.arrive $0xFFFF;
	s2 =	simm.s32 @!p0 $0x1C03  }
0x12f: {  	[timem:s3], [sflag:s2] =	dma.local @!p0 [hbm:s0], s1  }
0x130: {  	s0 =	simm.s32 @!p0 $0x3  }
0x131: {  	_ =	swait.ge @!p0 [sflag:s0], s1  }
0x132: {  	s1 =	ssub.s32 @!p0 $0x0, s1;
	[sflag:s0] =	ssyncset.done @!p0 $0x0  }
0x133: {  	[sflag:s0] =	ssyncadd.s32 @!p0 s1  }
0x134: {  	[bflag:$0x3] =	sbarrier.arrive $0xFFFF  }
0x135: {  	_ =	shalt  }

</sc_bundles>
